<compile_context>
chip_gen: v7x
topology: tpu7x:2x2x1
jax: 0.10.2.dev20260603
libtpu: 0.0.44.dev20260713+nightly
codegen_flags: <defaults>
</compile_context>

<pallas_src>
import jax
import jax.numpy as jnp
import numpy as np
from jax import lax
from jax.experimental import pallas as pl
from jax.experimental.pallas import tpu as pltpu
from jax.experimental.pallas import tpu_sc as plsc

N_NODES = 10000
NUM_GRAPHS = 64
D = 128
D_OUT = 64

NUM_SC = 2
NUM_TILES = 16
CHUNK = 128
CPT = 80
NB = 2
NPHASE = 2
SPC = CPT // NPHASE
E_PAD = NUM_SC * NUM_TILES * CPT * CHUNK
REAL_CHUNKS = 320000 // CHUNK
PAD_CHUNKS = E_PAD // CHUNK - REAL_CHUNKS
N_PAD = 10240
ROWS_PER_TILE = N_PAD // NUM_TILES
ROWS = 2000
GRID = N_NODES // ROWS



def _sc_edge_pass(y, ei_pad, zeros_blk, zeros_deg, with_deg):
    mesh = plsc.VectorSubcoreMesh(
        core_axis_name="c", subcore_axis_name="s",
        num_cores=NUM_SC, num_subcores=NUM_TILES)

    out_type = [jax.ShapeDtypeStruct((NUM_SC, N_PAD, D), jnp.float32)]
    if with_deg:
        out_type.append(jax.ShapeDtypeStruct((NUM_SC, N_PAD), jnp.float32))

    scratch = [
        pltpu.VMEM_SHARED((N_PAD, D), jnp.float32),
        pltpu.VMEM((SPC, CHUNK), jnp.int32),
        pltpu.VMEM((SPC, CHUNK), jnp.int32),
        pltpu.VMEM((NB, CHUNK, D), jnp.float32),
        pltpu.SemaphoreType.DMA,
        pltpu.SemaphoreType.DMA,
        pltpu.SemaphoreType.DMA,
        pltpu.SemaphoreType.DMA,
    ]
    if with_deg:
        scratch += [
            pltpu.VMEM_SHARED((N_PAD,), jnp.float32),
            pltpu.VMEM((CHUNK,), jnp.float32),
            pltpu.SemaphoreType.DMA,
        ]

    def body(*refs):
        if with_deg:
            (y_hbm, ei_hbm, zblk_hbm, zdeg_hbm,
             agg_hbm, deg_hbm, accum, src_t, dst_t, rows, g0, g1, s0, s1,
             deg_sh, ones, sem_d) = refs
        else:
            (y_hbm, ei_hbm, zblk_hbm,
             agg_hbm, accum, src_t, dst_t, rows, g0, g1, s0, s1) = refs
        sem_g = (g0, g1)
        c = lax.axis_index("c")
        s = lax.axis_index("s")
        r0 = s * ROWS_PER_TILE

        zero_cp = pltpu.async_copy(
            zblk_hbm.at[pl.ds(r0, ROWS_PER_TILE)],
            accum.at[pl.ds(r0, ROWS_PER_TILE)], s0)
        if with_deg:
            dzero_cp = pltpu.async_copy(
                zdeg_hbm.at[pl.ds(r0, ROWS_PER_TILE)],
                deg_sh.at[pl.ds(r0, ROWS_PER_TILE)], s1)
            for j in range(CHUNK // 16):
                ones[pl.ds(j * 16, 16)] = jnp.full((16,), 1.0, jnp.float32)

        row_base = (c * NUM_TILES + s) * CPT
        for p in range(NPHASE):
            a = row_base + p * SPC
            pltpu.sync_copy(ei_hbm.at[0, pl.ds(a, SPC)], src_t)
            pltpu.sync_copy(ei_hbm.at[1, pl.ds(a, SPC)], dst_t)

            for b in range(NB):
                pltpu.async_copy(y_hbm.at[src_t.at[b]], rows.at[b], sem_g[b])

            if p == 0:
                zero_cp.wait()
                if with_deg:
                    dzero_cp.wait()
                plsc.subcore_barrier()

            def step(i, carry):
                for b in range(NB):
                    j = i * NB + b
                    idx_d = dst_t.at[j]
                    pltpu.make_async_copy(y_hbm.at[src_t.at[j]], rows.at[b],
                                          sem_g[b]).wait()
                    if with_deg:
                        pltpu.async_copy(ones, deg_sh.at[idx_d], sem_d,
                                         add=True)
                    pltpu.sync_copy(rows.at[b], accum.at[idx_d], add=True)

                    nj = j + NB

                    @pl.when(nj < SPC)
                    def _():
                        pltpu.async_copy(y_hbm.at[src_t.at[nj]], rows.at[b],
                                         sem_g[b])
                return carry

            lax.fori_loop(0, SPC // NB, step, 0)

            if with_deg:
                def drain(i, carry):
                    pltpu.make_async_copy(ones, deg_sh.at[dst_t.at[0]],
                                          sem_d).wait()
                    return carry
                lax.fori_loop(0, SPC, drain, 0)

        plsc.subcore_barrier()

        pltpu.sync_copy(accum.at[pl.ds(r0, ROWS_PER_TILE)],
                        agg_hbm.at[c, pl.ds(r0, ROWS_PER_TILE)])
        if with_deg:
            pltpu.sync_copy(deg_sh.at[pl.ds(r0, ROWS_PER_TILE)],
                            deg_hbm.at[c, pl.ds(r0, ROWS_PER_TILE)])

    run = pl.kernel(body, out_type=out_type, mesh=mesh, scratch_types=scratch)
    if with_deg:
        return run(y, ei_pad, zeros_blk, zeros_deg)
    return run(y, ei_pad, zeros_blk)



def _dotT(a, w):
    return lax.dot_general(a, w, (((1,), (1,)), ((), ())),
                           preferred_element_type=jnp.float32)


def _tcA_body(x_ref, wl_ref, wr_ref, b_ref, y_ref, self_ref):
    xb = x_ref[...]
    y_ref[...] = _dotT(xb, wl_ref[...])
    self_ref[...] = _dotT(xb, wr_ref[...]) + b_ref[...]


def _tc_pre(x, Wl, Wr, b):
    return pl.pallas_call(
        _tcA_body,
        grid=(GRID,),
        in_specs=[
            pl.BlockSpec((ROWS, D), lambda i: (i, 0)),
            pl.BlockSpec((D, D), lambda i: (0, 0)),
            pl.BlockSpec((D, D), lambda i: (0, 0)),
            pl.BlockSpec((1, D), lambda i: (0, 0)),
        ],
        out_specs=[
            pl.BlockSpec((ROWS, D), lambda i: (i, 0)),
            pl.BlockSpec((ROWS, D), lambda i: (i, 0)),
        ],
        out_shape=[
            jax.ShapeDtypeStruct((N_NODES, D), jnp.float32),
            jax.ShapeDtypeStruct((N_NODES, D), jnp.float32),
        ],
    )(x, Wl, Wr, b.reshape(1, D))


def _tcB_body(a_ref, d0_ref, d1_ref, s_ref, wl_ref, wr_ref, b_ref,
              y_ref, self_ref):
    deg = jnp.maximum(jnp.reshape(d0_ref[0] + d1_ref[0], (ROWS, 1)), 1.0)
    h = jnp.maximum((a_ref[0] + a_ref[1]) / deg + s_ref[...], 0.0)
    y_ref[...] = _dotT(h, wl_ref[...])
    self_ref[...] = _dotT(h, wr_ref[...]) + b_ref[...]


def _tc_mid(agg, d0T, d1T, selfp, Wl, Wr, b):
    return pl.pallas_call(
        _tcB_body,
        grid=(GRID,),
        in_specs=[
            pl.BlockSpec((NUM_SC, ROWS, D), lambda i: (0, i, 0)),
            pl.BlockSpec((1, 1, ROWS), lambda i: (i, 0, 0)),
            pl.BlockSpec((1, 1, ROWS), lambda i: (i, 0, 0)),
            pl.BlockSpec((ROWS, D), lambda i: (i, 0)),
            pl.BlockSpec((D, D), lambda i: (0, 0)),
            pl.BlockSpec((D, D), lambda i: (0, 0)),
            pl.BlockSpec((1, D), lambda i: (0, 0)),
        ],
        out_specs=[
            pl.BlockSpec((ROWS, D), lambda i: (i, 0)),
            pl.BlockSpec((ROWS, D), lambda i: (i, 0)),
        ],
        out_shape=[
            jax.ShapeDtypeStruct((N_NODES, D), jnp.float32),
            jax.ShapeDtypeStruct((N_NODES, D), jnp.float32),
        ],
    )(agg, d0T, d1T, selfp, Wl, Wr, b.reshape(1, D))


def _tcC_body(a_ref, d0_ref, d1_ref, s_ref, bt_ref, wlin_ref,
              blin_ref, out_ref, sums, cnts):
    i = pl.program_id(0)

    @pl.when(i == 0)
    def _():
        sums[...] = jnp.zeros_like(sums)
        cnts[...] = jnp.zeros_like(cnts)

    deg = jnp.maximum(jnp.reshape(d0_ref[0] + d1_ref[0], (ROWS, 1)), 1.0)
    h = jnp.maximum((a_ref[0] + a_ref[1]) / deg + s_ref[...], 0.0)
    bt = bt_ref[0]
    oh = (lax.broadcasted_iota(jnp.int32, (NUM_GRAPHS, ROWS), 0)
          == bt).astype(jnp.float32)
    sums[...] += jnp.dot(oh, h, preferred_element_type=jnp.float32)
    cnts[...] += jnp.sum(oh, axis=1, keepdims=True)

    @pl.when(i == pl.num_programs(0) - 1)
    def _():
        pooled = sums[...] / jnp.maximum(cnts[...], 1.0)
        out_ref[...] = _dotT(pooled, wlin_ref[...]) + blin_ref[...]


def _tc_post(agg, d0T, d1T, selfp, batch3, Wlin, blin):
    return pl.pallas_call(
        _tcC_body,
        grid=(GRID,),
        in_specs=[
            pl.BlockSpec((NUM_SC, ROWS, D), lambda i: (0, i, 0)),
            pl.BlockSpec((1, 1, ROWS), lambda i: (i, 0, 0)),
            pl.BlockSpec((1, 1, ROWS), lambda i: (i, 0, 0)),
            pl.BlockSpec((ROWS, D), lambda i: (i, 0)),
            pl.BlockSpec((1, 1, ROWS), lambda i: (i, 0, 0)),
            pl.BlockSpec((D_OUT, D), lambda i: (0, 0)),
            pl.BlockSpec((1, D_OUT), lambda i: (0, 0)),
        ],
        out_specs=pl.BlockSpec((NUM_GRAPHS, D_OUT), lambda i: (0, 0)),
        out_shape=jax.ShapeDtypeStruct((NUM_GRAPHS, D_OUT), jnp.float32),
        scratch_shapes=[
            pltpu.VMEM((NUM_GRAPHS, D), jnp.float32),
            pltpu.VMEM((NUM_GRAPHS, 1), jnp.float32),
        ],
    )(agg, d0T, d1T, selfp, batch3, Wlin, blin.reshape(1, D_OUT))



def _degrows(deg_slice):
    return deg_slice[:N_NODES].reshape(GRID, 1, ROWS)


def kernel(x, edge_index, batch, W1l, b1, W1r, W2l, b2, W2r, Wlin, blin):
    ar = np.arange(PAD_CHUNKS * CHUNK, dtype=np.int32)
    pad_blk = jnp.asarray(np.stack([
        ((ar * 997) % N_NODES).reshape(PAD_CHUNKS, CHUNK),
        (N_NODES + ar % (N_PAD - N_NODES)).reshape(PAD_CHUNKS, CHUNK),
    ]))
    ei_pad = jnp.concatenate(
        [edge_index.reshape(2, REAL_CHUNKS, CHUNK), pad_blk], axis=1)

    zeros_blk = jnp.asarray(np.zeros((N_PAD, D), np.float32))
    zeros_deg = jnp.asarray(np.zeros((N_PAD,), np.float32))
    batch3 = batch.reshape(GRID, 1, ROWS)

    y1, self1 = _tc_pre(x, W1l, W1r, b1)
    agg1, deg = _sc_edge_pass(y1, ei_pad, zeros_blk, zeros_deg,
                              with_deg=True)
    d0T = _degrows(deg[0])
    d1T = _degrows(deg[1])

    y2, self2 = _tc_mid(agg1, d0T, d1T, self1, W2l, W2r, b2)
    (agg2,) = _sc_edge_pass(y2, ei_pad, zeros_blk, zeros_deg,
                            with_deg=False)

    return _tc_post(agg2, d0T, d1T, self2, batch3, Wlin, blin)

# --- scband reference (transcript-rebuilt; emitter-appended) ---
"""Pipeline reference for scband-gnn-45767171506444 (READ-ONLY COPY).

The authoritative reference and input builder live on the scoring server;
editing this copy changes nothing except your own understanding.
"""

import jax, jax.numpy as jnp
import numpy as np

N_NODES = 10000
N_EDGES = 320000
NUM_GRAPHS = 64
D_IN = 128
D_HID = 128
D_OUT = 64


def setup_inputs(seed: int = 0) -> dict:
    key = jax.random.key(seed)
    ks = jax.random.split(key, 12)
    x = jax.random.normal(ks[0], (N_NODES, D_IN), dtype=jnp.float32)
    edge_index = jax.random.randint(ks[1], (2, N_EDGES), 0, N_NODES, dtype=jnp.int32)
    batch = jnp.sort(jax.random.randint(ks[2], (N_NODES,), 0, NUM_GRAPHS, dtype=jnp.int32))
    s1 = 1.0 / np.sqrt(D_IN)
    s2 = 1.0 / np.sqrt(D_HID)
    W1l = jax.random.uniform(ks[3], (D_HID, D_IN), jnp.float32, -s1, s1)
    b1 = jax.random.uniform(ks[4], (D_HID,), jnp.float32, -s1, s1)
    W1r = jax.random.uniform(ks[5], (D_HID, D_IN), jnp.float32, -s1, s1)
    W2l = jax.random.uniform(ks[6], (D_HID, D_HID), jnp.float32, -s2, s2)
    b2 = jax.random.uniform(ks[7], (D_HID,), jnp.float32, -s2, s2)
    W2r = jax.random.uniform(ks[8], (D_HID, D_HID), jnp.float32, -s2, s2)
    Wlin = jax.random.uniform(ks[9], (D_OUT, D_HID), jnp.float32, -s2, s2)
    blin = jax.random.uniform(ks[10], (D_OUT,), jnp.float32, -s2, s2)
    return {"x": x, "edge_index": edge_index, "batch": batch,
            "W1l": W1l, "b1": b1, "W1r": W1r,
            "W2l": W2l, "b2": b2, "W2r": W2r,
            "Wlin": Wlin, "blin": blin}


def _sage_conv(x, edge_index, Wl, bl, Wr):
    # PyG SAGEConv with mean aggregation:
    # out = lin_l(mean_{j in N(i)} x_j) + lin_r(x_i)
    src = edge_index[0]
    dst = edge_index[1]
    msgs = jnp.take(x, src, axis=0)
    n = x.shape[0]
    summed = jax.ops.segment_sum(msgs, dst, num_segments=n)
    counts = jax.ops.segment_sum(jnp.ones((msgs.shape[0], 1), dtype=x.dtype), dst, num_segments=n)
    aggr = summed / jnp.maximum(counts, 1.0)
    return aggr @ Wl.T + bl + x @ Wr.T


def _global_mean_pool(x, batch, num_graphs):
    summed = jax.ops.segment_sum(x, batch, num_segments=num_graphs)
    counts = jax.ops.segment_sum(jnp.ones((x.shape[0], 1), dtype=x.dtype), batch, num_segments=num_graphs)
    return summed / jnp.maximum(counts, 1.0)


def reference(x, edge_index, batch, W1l, b1, W1r, W2l, b2, W2r, Wlin, blin):
    h = jax.nn.relu(_sage_conv(x, edge_index, W1l, b1, W1r))
    h = jax.nn.relu(_sage_conv(h, edge_index, W2l, b2, W2r))
    pooled = _global_mean_pool(h, batch, NUM_GRAPHS)
    return pooled @ Wlin.T + blin

if __name__ == "__main__":
    import jax
    _d = setup_inputs()
    print(jax.jit(kernel)(*tuple(_d.values())))

</pallas_src>

<mosaic_0001>
#map = affine_map<(d0, d1) -> (0, 0)>
#map1 = affine_map<(d0, d1) -> (0, 0, 0)>
#map2 = affine_map<(d0, d1) -> (0)>
module attributes {stable_mosaic.version = 14 : i64} {
  func.func @body(%arg0: i32, %arg1: i32, %arg2: memref<10000x128xf32, #tpu.memory_space<hbm>>, %arg3: memref<2x2560x128xi32, #tpu.memory_space<hbm>>, %arg4: memref<10240x128xf32, #tpu.memory_space<hbm>>, %arg5: memref<10240xf32, #tpu.memory_space<hbm>>, %arg6: memref<2x10240x128xf32, #tpu.memory_space<hbm>>, %arg7: memref<2x10240xf32, #tpu.memory_space<hbm>>, %arg8: memref<10240x128xf32, #tpu.memory_space<vmem_shared>>, %arg9: memref<40x128xi32, #tpu.memory_space<vmem>>, %arg10: memref<40x128xi32, #tpu.memory_space<vmem>>, %arg11: memref<2x128x128xf32, #tpu.memory_space<vmem>>, %arg12: memref<!tpu.dma_semaphore, #tpu.memory_space<semaphore_mem>>, %arg13: memref<!tpu.dma_semaphore, #tpu.memory_space<semaphore_mem>>, %arg14: memref<!tpu.dma_semaphore, #tpu.memory_space<semaphore_mem>>, %arg15: memref<!tpu.dma_semaphore, #tpu.memory_space<semaphore_mem>>, %arg16: memref<10240xf32, #tpu.memory_space<vmem_shared>>, %arg17: memref<128xf32, #tpu.memory_space<vmem>>, %arg18: memref<!tpu.dma_semaphore, #tpu.memory_space<semaphore_mem>>) attributes {dimension_semantics = [#tpu.dimension_semantics<core_parallel>, #tpu.dimension_semantics<subcore_parallel>], iteration_bounds = array<i64: 2, 16>, scalar_prefetch = 0 : i64, scratch_operands = 11 : i64, tpu.core_type = #tpu.core_type<sc_vector_subcore>, window_params = [{transform_indices = #map}, {transform_indices = #map1}, {transform_indices = #map}, {transform_indices = #map2}, {transform_indices = #map1}, {transform_indices = #map}]} {
    %mul3A = arith.constant 640 : i32
    %mul3A_0 = arith.muli %arg1, %mul3A : i32
    %dma_start3A = arith.constant 0 : i32
    %dma_start3A_1 = tpu.memref_slice %arg8[%mul3A_0, %dma_start3A] : memref<10240x128xf32, #tpu.memory_space<vmem_shared>> -> memref<640x128xf32, #tpu.memory_space<vmem_shared>>
    %dma_start3A_2 = arith.constant 0 : i32
    %dma_start3A_3 = tpu.memref_slice %arg4[%mul3A_0, %dma_start3A_2] : memref<10240x128xf32, #tpu.memory_space<hbm>> -> memref<640x128xf32, #tpu.memory_space<hbm>>
    tpu.enqueue_dma source(%dma_start3A_3 : memref<640x128xf32, #tpu.memory_space<hbm>>) target(%dma_start3A_1 : memref<640x128xf32, #tpu.memory_space<vmem_shared>>) target_semaphore(%arg14 : memref<!tpu.dma_semaphore, #tpu.memory_space<semaphore_mem>>)
    %dma_start3A_4 = tpu.memref_slice %arg16[%mul3A_0] : memref<10240xf32, #tpu.memory_space<vmem_shared>> -> memref<640xf32, #tpu.memory_space<vmem_shared>>
    %dma_start3A_5 = tpu.memref_slice %arg5[%mul3A_0] : memref<10240xf32, #tpu.memory_space<hbm>> -> memref<640xf32, #tpu.memory_space<hbm>>
    tpu.enqueue_dma source(%dma_start3A_5 : memref<640xf32, #tpu.memory_space<hbm>>) target(%dma_start3A_4 : memref<640xf32, #tpu.memory_space<vmem_shared>>) target_semaphore(%arg15 : memref<!tpu.dma_semaphore, #tpu.memory_space<semaphore_mem>>)
    %broadcast_in_dim3A = arith.constant 1.000000e+00 : f32
    %broadcast_in_dim3A_6 = vector.broadcast %broadcast_in_dim3A : f32 to vector<16xf32>
    %swap3A = arith.constant 0 : index
    %swap3A_7 = tpu.vector_load %arg17[%swap3A] {strides = array<i32>} : memref<128xf32, #tpu.memory_space<vmem>>, vector<16xf32>,
    %swap3A_8 = vector.shape_cast %swap3A_7 : vector<16xf32> to vector<16xf32>
    %swap3A_9 = vector.shape_cast %broadcast_in_dim3A_6 : vector<16xf32> to vector<16xf32>
    tpu.vector_store %arg17[%swap3A], %swap3A_9 {strides = array<i32>} : memref<128xf32, #tpu.memory_space<vmem>>, vector<16xf32>,
    %broadcast_in_dim3A_10 = arith.constant 1.000000e+00 : f32
    %broadcast_in_dim3A_11 = vector.broadcast %broadcast_in_dim3A_10 : f32 to vector<16xf32>
    %swap3A_12 = arith.constant 16 : index
    %swap3A_13 = tpu.vector_load %arg17[%swap3A_12] {strides = array<i32>} : memref<128xf32, #tpu.memory_space<vmem>>, vector<16xf32>,
    %swap3A_14 = vector.shape_cast %swap3A_13 : vector<16xf32> to vector<16xf32>
    %swap3A_15 = vector.shape_cast %broadcast_in_dim3A_11 : vector<16xf32> to vector<16xf32>
    tpu.vector_store %arg17[%swap3A_12], %swap3A_15 {strides = array<i32>} : memref<128xf32, #tpu.memory_space<vmem>>, vector<16xf32>,
    %broadcast_in_dim3A_16 = arith.constant 1.000000e+00 : f32
    %broadcast_in_dim3A_17 = vector.broadcast %broadcast_in_dim3A_16 : f32 to vector<16xf32>
    %swap3A_18 = arith.constant 32 : index
    %swap3A_19 = tpu.vector_load %arg17[%swap3A_18] {strides = array<i32>} : memref<128xf32, #tpu.memory_space<vmem>>, vector<16xf32>,
    %swap3A_20 = vector.shape_cast %swap3A_19 : vector<16xf32> to vector<16xf32>
    %swap3A_21 = vector.shape_cast %broadcast_in_dim3A_17 : vector<16xf32> to vector<16xf32>
    tpu.vector_store %arg17[%swap3A_18], %swap3A_21 {strides = array<i32>} : memref<128xf32, #tpu.memory_space<vmem>>, vector<16xf32>,
    %broadcast_in_dim3A_22 = arith.constant 1.000000e+00 : f32
    %broadcast_in_dim3A_23 = vector.broadcast %broadcast_in_dim3A_22 : f32 to vector<16xf32>
    %swap3A_24 = arith.constant 48 : index
    %swap3A_25 = tpu.vector_load %arg17[%swap3A_24] {strides = array<i32>} : memref<128xf32, #tpu.memory_space<vmem>>, vector<16xf32>,
    %swap3A_26 = vector.shape_cast %swap3A_25 : vector<16xf32> to vector<16xf32>
    %swap3A_27 = vector.shape_cast %broadcast_in_dim3A_23 : vector<16xf32> to vector<16xf32>
    tpu.vector_store %arg17[%swap3A_24], %swap3A_27 {strides = array<i32>} : memref<128xf32, #tpu.memory_space<vmem>>, vector<16xf32>,
    %broadcast_in_dim3A_28 = arith.constant 1.000000e+00 : f32
    %broadcast_in_dim3A_29 = vector.broadcast %broadcast_in_dim3A_28 : f32 to vector<16xf32>
    %swap3A_30 = arith.constant 64 : index
    %swap3A_31 = tpu.vector_load %arg17[%swap3A_30] {strides = array<i32>} : memref<128xf32, #tpu.memory_space<vmem>>, vector<16xf32>,
    %swap3A_32 = vector.shape_cast %swap3A_31 : vector<16xf32> to vector<16xf32>
    %swap3A_33 = vector.shape_cast %broadcast_in_dim3A_29 : vector<16xf32> to vector<16xf32>
    tpu.vector_store %arg17[%swap3A_30], %swap3A_33 {strides = array<i32>} : memref<128xf32, #tpu.memory_space<vmem>>, vector<16xf32>,
    %broadcast_in_dim3A_34 = arith.constant 1.000000e+00 : f32
    %broadcast_in_dim3A_35 = vector.broadcast %broadcast_in_dim3A_34 : f32 to vector<16xf32>
    %swap3A_36 = arith.constant 80 : index
    %swap3A_37 = tpu.vector_load %arg17[%swap3A_36] {strides = array<i32>} : memref<128xf32, #tpu.memory_space<vmem>>, vector<16xf32>,
    %swap3A_38 = vector.shape_cast %swap3A_37 : vector<16xf32> to vector<16xf32>
    %swap3A_39 = vector.shape_cast %broadcast_in_dim3A_35 : vector<16xf32> to vector<16xf32>
    tpu.vector_store %arg17[%swap3A_36], %swap3A_39 {strides = array<i32>} : memref<128xf32, #tpu.memory_space<vmem>>, vector<16xf32>,
    %broadcast_in_dim3A_40 = arith.constant 1.000000e+00 : f32
    %broadcast_in_dim3A_41 = vector.broadcast %broadcast_in_dim3A_40 : f32 to vector<16xf32>
    %swap3A_42 = arith.constant 96 : index
    %swap3A_43 = tpu.vector_load %arg17[%swap3A_42] {strides = array<i32>} : memref<128xf32, #tpu.memory_space<vmem>>, vector<16xf32>,
    %swap3A_44 = vector.shape_cast %swap3A_43 : vector<16xf32> to vector<16xf32>
    %swap3A_45 = vector.shape_cast %broadcast_in_dim3A_41 : vector<16xf32> to vector<16xf32>
    tpu.vector_store %arg17[%swap3A_42], %swap3A_45 {strides = array<i32>} : memref<128xf32, #tpu.memory_space<vmem>>, vector<16xf32>,
    %broadcast_in_dim3A_46 = arith.constant 1.000000e+00 : f32
    %broadcast_in_dim3A_47 = vector.broadcast %broadcast_in_dim3A_46 : f32 to vector<16xf32>
    %swap3A_48 = arith.constant 112 : index
    %swap3A_49 = tpu.vector_load %arg17[%swap3A_48] {strides = array<i32>} : memref<128xf32, #tpu.memory_space<vmem>>, vector<16xf32>,
    %swap3A_50 = vector.shape_cast %swap3A_49 : vector<16xf32> to vector<16xf32>
    %swap3A_51 = vector.shape_cast %broadcast_in_dim3A_47 : vector<16xf32> to vector<16xf32>
    tpu.vector_store %arg17[%swap3A_48], %swap3A_51 {strides = array<i32>} : memref<128xf32, #tpu.memory_space<vmem>>, vector<16xf32>,
    %mul3A_52 = arith.constant 16 : i32
    %mul3A_53 = arith.muli %arg0, %mul3A_52 : i32
    %add3A = arith.addi %mul3A_53, %arg1 : i32
    %mul3A_54 = arith.constant 80 : i32
    %mul3A_55 = arith.muli %add3A, %mul3A_54 : i32
    %add3A_56 = arith.constant 0 : i32
    %add3A_57 = arith.addi %mul3A_55, %add3A_56 : i32
    %run_scoped3A = arith.constant 0 : i32
    "tpu.region"() ({
      %run_scoped3A_140 = tpu.sem_alloc : memref<!tpu.dma_semaphore, #tpu.memory_space<semaphore_mem>>
      %dma_start3A_141 = arith.constant 0 : i32
      %dma_start3A_142 = tpu.memref_slice %arg3[%run_scoped3A, %add3A_57, %dma_start3A_141] : memref<2x2560x128xi32, #tpu.memory_space<hbm>> -> memref<1x40x128xi32, #tpu.memory_space<hbm>>
      %dma_start3A_143 = tpu.memref_squeeze %dma_start3A_142 : memref<1x40x128xi32, #tpu.memory_space<hbm>> -> memref<40x128xi32, #tpu.memory_space<hbm>>
      %dma_start3A_144 = arith.constant 0 : i32
      %dma_start3A_145 = tpu.memref_slice %arg3[%run_scoped3A, %add3A_57, %dma_start3A_144] : memref<2x2560x128xi32, #tpu.memory_space<hbm>> -> memref<1x40x128xi32, #tpu.memory_space<hbm>>
      %dma_start3A_146 = tpu.memref_squeeze %dma_start3A_145 : memref<1x40x128xi32, #tpu.memory_space<hbm>> -> memref<40x128xi32, #tpu.memory_space<hbm>>
      tpu.enqueue_dma source(%dma_start3A_146 : memref<40x128xi32, #tpu.memory_space<hbm>>) target(%arg9 : memref<40x128xi32, #tpu.memory_space<vmem>>) target_semaphore(%run_scoped3A_140 : memref<!tpu.dma_semaphore, #tpu.memory_space<semaphore_mem>>)
      %dma_wait3A_147 = arith.constant 0 : i32
      %dma_wait3A_148 = tpu.memref_slice %arg3[%run_scoped3A, %add3A_57, %dma_wait3A_147] : memref<2x2560x128xi32, #tpu.memory_space<hbm>> -> memref<1x40x128xi32, #tpu.memory_space<hbm>>
      %dma_wait3A_149 = tpu.memref_squeeze %dma_wait3A_148 : memref<1x40x128xi32, #tpu.memory_space<hbm>> -> memref<40x128xi32, #tpu.memory_space<hbm>>
      %dma_wait3A_150 = arith.constant 0 : i32
      %dma_wait3A_151 = tpu.memref_slice %arg3[%run_scoped3A, %add3A_57, %dma_wait3A_150] : memref<2x2560x128xi32, #tpu.memory_space<hbm>> -> memref<1x40x128xi32, #tpu.memory_space<hbm>>
      %dma_wait3A_152 = tpu.memref_squeeze %dma_wait3A_151 : memref<1x40x128xi32, #tpu.memory_space<hbm>> -> memref<40x128xi32, #tpu.memory_space<hbm>>
      tpu.wait_dma2 semaphore(%run_scoped3A_140 : memref<!tpu.dma_semaphore, #tpu.memory_space<semaphore_mem>>) src(%dma_wait3A_152 : memref<40x128xi32, #tpu.memory_space<hbm>>) dst(%arg9 : memref<40x128xi32, #tpu.memory_space<vmem>>)
      tpu.yield
    }) : () -> ()
    %run_scoped3A_58 = arith.constant 1 : i32
    "tpu.region"() ({
      %run_scoped3A_140 = tpu.sem_alloc : memref<!tpu.dma_semaphore, #tpu.memory_space<semaphore_mem>>
      %dma_start3A_141 = arith.constant 0 : i32
      %dma_start3A_142 = tpu.memref_slice %arg3[%run_scoped3A_58, %add3A_57, %dma_start3A_141] : memref<2x2560x128xi32, #tpu.memory_space<hbm>> -> memref<1x40x128xi32, #tpu.memory_space<hbm>>
      %dma_start3A_143 = tpu.memref_squeeze %dma_start3A_142 : memref<1x40x128xi32, #tpu.memory_space<hbm>> -> memref<40x128xi32, #tpu.memory_space<hbm>>
      %dma_start3A_144 = arith.constant 0 : i32
      %dma_start3A_145 = tpu.memref_slice %arg3[%run_scoped3A_58, %add3A_57, %dma_start3A_144] : memref<2x2560x128xi32, #tpu.memory_space<hbm>> -> memref<1x40x128xi32, #tpu.memory_space<hbm>>
      %dma_start3A_146 = tpu.memref_squeeze %dma_start3A_145 : memref<1x40x128xi32, #tpu.memory_space<hbm>> -> memref<40x128xi32, #tpu.memory_space<hbm>>
      tpu.enqueue_dma source(%dma_start3A_146 : memref<40x128xi32, #tpu.memory_space<hbm>>) target(%arg10 : memref<40x128xi32, #tpu.memory_space<vmem>>) target_semaphore(%run_scoped3A_140 : memref<!tpu.dma_semaphore, #tpu.memory_space<semaphore_mem>>)
      %dma_wait3A_147 = arith.constant 0 : i32
      %dma_wait3A_148 = tpu.memref_slice %arg3[%run_scoped3A_58, %add3A_57, %dma_wait3A_147] : memref<2x2560x128xi32, #tpu.memory_space<hbm>> -> memref<1x40x128xi32, #tpu.memory_space<hbm>>
      %dma_wait3A_149 = tpu.memref_squeeze %dma_wait3A_148 : memref<1x40x128xi32, #tpu.memory_space<hbm>> -> memref<40x128xi32, #tpu.memory_space<hbm>>
      %dma_wait3A_150 = arith.constant 0 : i32
      %dma_wait3A_151 = tpu.memref_slice %arg3[%run_scoped3A_58, %add3A_57, %dma_wait3A_150] : memref<2x2560x128xi32, #tpu.memory_space<hbm>> -> memref<1x40x128xi32, #tpu.memory_space<hbm>>
      %dma_wait3A_152 = tpu.memref_squeeze %dma_wait3A_151 : memref<1x40x128xi32, #tpu.memory_space<hbm>> -> memref<40x128xi32, #tpu.memory_space<hbm>>
      tpu.wait_dma2 semaphore(%run_scoped3A_140 : memref<!tpu.dma_semaphore, #tpu.memory_space<semaphore_mem>>) src(%dma_wait3A_152 : memref<40x128xi32, #tpu.memory_space<hbm>>) dst(%arg10 : memref<40x128xi32, #tpu.memory_space<vmem>>)
      tpu.yield
    }) : () -> ()
    %dma_start3A_59 = arith.constant 0 : i32
    %dma_start3A_60 = arith.constant 0 : i32
    %dma_start3A_61 = arith.constant 0 : i32
    %dma_start3A_62 = arith.constant 0 : i32
    %dma_start3A_63 = tpu.memref_slice %arg11[%dma_start3A_60, %dma_start3A_61, %dma_start3A_62] : memref<2x128x128xf32, #tpu.memory_space<vmem>> -> memref<1x128x128xf32, #tpu.memory_space<vmem>>
    %dma_start3A_64 = tpu.memref_squeeze %dma_start3A_63 : memref<1x128x128xf32, #tpu.memory_space<vmem>> -> memref<128x128xf32, #tpu.memory_space<vmem>>
    %dma_start3A_65 = arith.constant 0 : i32
    %dma_start3A_66 = tpu.memref_slice %arg9[%dma_start3A_59, %dma_start3A_65] : memref<40x128xi32, #tpu.memory_space<vmem>> -> memref<1x128xi32, #tpu.memory_space<vmem>>
    %dma_start3A_67 = tpu.memref_squeeze %dma_start3A_66 : memref<1x128xi32, #tpu.memory_space<vmem>> -> memref<128xi32, #tpu.memory_space<vmem>>
    %dma_start3A_68 = arith.constant 0 : i32
    %dma_start3A_69 = arith.constant 0 : i32
    %dma_start3A_70 = tpu.memref_slice %arg2[%dma_start3A_68, %dma_start3A_69] : memref<10000x128xf32, #tpu.memory_space<hbm>> -> memref<10000x128xf32, #tpu.memory_space<hbm>>
    tpu.enqueue_indirect_dma source(%dma_start3A_70 : memref<10000x128xf32, #tpu.memory_space<hbm>>) target(%dma_start3A_64 : memref<128x128xf32, #tpu.memory_space<vmem>>) offsets(%dma_start3A_67 : memref<128xi32, #tpu.memory_space<vmem>>) semaphore(%arg12 : memref<!tpu.dma_semaphore, #tpu.memory_space<semaphore_mem>>)
    %dma_start3A_71 = arith.constant 1 : i32
    %dma_start3A_72 = arith.constant 1 : i32
    %dma_start3A_73 = arith.constant 0 : i32
    %dma_start3A_74 = arith.constant 0 : i32
    %dma_start3A_75 = tpu.memref_slice %arg11[%dma_start3A_72, %dma_start3A_73, %dma_start3A_74] : memref<2x128x128xf32, #tpu.memory_space<vmem>> -> memref<1x128x128xf32, #tpu.memory_space<vmem>>
    %dma_start3A_76 = tpu.memref_squeeze %dma_start3A_75 : memref<1x128x128xf32, #tpu.memory_space<vmem>> -> memref<128x128xf32, #tpu.memory_space<vmem>>
    %dma_start3A_77 = arith.constant 0 : i32
    %dma_start3A_78 = tpu.memref_slice %arg9[%dma_start3A_71, %dma_start3A_77] : memref<40x128xi32, #tpu.memory_space<vmem>> -> memref<1x128xi32, #tpu.memory_space<vmem>>
    %dma_start3A_79 = tpu.memref_squeeze %dma_start3A_78 : memref<1x128xi32, #tpu.memory_space<vmem>> -> memref<128xi32, #tpu.memory_space<vmem>>
    %dma_start3A_80 = arith.constant 0 : i32
    %dma_start3A_81 = arith.constant 0 : i32
    %dma_start3A_82 = tpu.memref_slice %arg2[%dma_start3A_80, %dma_start3A_81] : memref<10000x128xf32, #tpu.memory_space<hbm>> -> memref<10000x128xf32, #tpu.memory_space<hbm>>
    tpu.enqueue_indirect_dma source(%dma_start3A_82 : memref<10000x128xf32, #tpu.memory_space<hbm>>) target(%dma_start3A_76 : memref<128x128xf32, #tpu.memory_space<vmem>>) offsets(%dma_start3A_79 : memref<128xi32, #tpu.memory_space<vmem>>) semaphore(%arg13 : memref<!tpu.dma_semaphore, #tpu.memory_space<semaphore_mem>>)
    %dma_wait3A = arith.constant 0 : i32
    %dma_wait3A_83 = tpu.memref_slice %arg8[%mul3A_0, %dma_wait3A] : memref<10240x128xf32, #tpu.memory_space<vmem_shared>> -> memref<640x128xf32, #tpu.memory_space<vmem_shared>>
    %dma_wait3A_84 = arith.constant 0 : i32
    %dma_wait3A_85 = tpu.memref_slice %arg4[%mul3A_0, %dma_wait3A_84] : memref<10240x128xf32, #tpu.memory_space<hbm>> -> memref<640x128xf32, #tpu.memory_space<hbm>>
    tpu.wait_dma2 semaphore(%arg14 : memref<!tpu.dma_semaphore, #tpu.memory_space<semaphore_mem>>) src(%dma_wait3A_85 : memref<640x128xf32, #tpu.memory_space<hbm>>) dst(%dma_wait3A_83 : memref<640x128xf32, #tpu.memory_space<vmem_shared>>)
    %dma_wait3A_86 = tpu.memref_slice %arg16[%mul3A_0] : memref<10240xf32, #tpu.memory_space<vmem_shared>> -> memref<640xf32, #tpu.memory_space<vmem_shared>>
    %dma_wait3A_87 = tpu.memref_slice %arg5[%mul3A_0] : memref<10240xf32, #tpu.memory_space<hbm>> -> memref<640xf32, #tpu.memory_space<hbm>>
    tpu.wait_dma2 semaphore(%arg15 : memref<!tpu.dma_semaphore, #tpu.memory_space<semaphore_mem>>) src(%dma_wait3A_87 : memref<640xf32, #tpu.memory_space<hbm>>) dst(%dma_wait3A_86 : memref<640xf32, #tpu.memory_space<vmem_shared>>)
    %barrier3A = arith.constant 0 : index
    tpu.barrier barrier_id(%barrier3A)
    %scan3A = arith.constant 0 : i32
    %scan3A_88 = arith.constant 0 : i32
    %scan3A_89 = arith.constant 20 : i32
    %scan3A_90 = arith.addi %scan3A_88, %scan3A_89 : i32
    %scan3A_91 = arith.constant 1 : i32
    scf.for %scan3A_140 = %scan3A_88 to %scan3A_90 step %scan3A_91  : i32 {
      %mul3A_141 = arith.constant 2 : i32
      %mul3A_142 = arith.muli %scan3A_140, %mul3A_141 : i32
      %add3A_143 = arith.constant 0 : i32
      %add3A_144 = arith.addi %mul3A_142, %add3A_143 : i32
      %dma_wait3A_145 = arith.constant 0 : i32
      %dma_wait3A_146 = arith.constant 0 : i32
      %dma_wait3A_147 = arith.constant 0 : i32
      %dma_wait3A_148 = tpu.memref_slice %arg11[%dma_wait3A_145, %dma_wait3A_146, %dma_wait3A_147] : memref<2x128x128xf32, #tpu.memory_space<vmem>> -> memref<1x128x128xf32, #tpu.memory_space<vmem>>
      %dma_wait3A_149 = tpu.memref_squeeze %dma_wait3A_148 : memref<1x128x128xf32, #tpu.memory_space<vmem>> -> memref<128x128xf32, #tpu.memory_space<vmem>>
      %dma_wait3A_150 = arith.constant 0 : i32
      %dma_wait3A_151 = tpu.memref_slice %arg9[%add3A_144, %dma_wait3A_150] : memref<40x128xi32, #tpu.memory_space<vmem>> -> memref<1x128xi32, #tpu.memory_space<vmem>>
      %dma_wait3A_152 = tpu.memref_squeeze %dma_wait3A_151 : memref<1x128xi32, #tpu.memory_space<vmem>> -> memref<128xi32, #tpu.memory_space<vmem>>
      %dma_wait3A_153 = arith.constant 0 : i32
      %dma_wait3A_154 = arith.constant 0 : i32
      %dma_wait3A_155 = tpu.memref_slice %arg2[%dma_wait3A_153, %dma_wait3A_154] : memref<10000x128xf32, #tpu.memory_space<hbm>> -> memref<10000x128xf32, #tpu.memory_space<hbm>>
      tpu.wait_indirect_dma semaphore(%arg12 : memref<!tpu.dma_semaphore, #tpu.memory_space<semaphore_mem>>) src(%dma_wait3A_155 : memref<10000x128xf32, #tpu.memory_space<hbm>>) dst(%dma_wait3A_149 : memref<128x128xf32, #tpu.memory_space<vmem>>)
      %dma_start3A_156 = arith.constant 0 : i32
      %dma_start3A_157 = tpu.memref_slice %arg10[%add3A_144, %dma_start3A_156] : memref<40x128xi32, #tpu.memory_space<vmem>> -> memref<1x128xi32, #tpu.memory_space<vmem>>
      %dma_start3A_158 = tpu.memref_squeeze %dma_start3A_157 : memref<1x128xi32, #tpu.memory_space<vmem>> -> memref<128xi32, #tpu.memory_space<vmem>>
      %dma_start3A_159 = arith.constant 0 : i32
      %dma_start3A_160 = tpu.memref_slice %arg16[%dma_start3A_159] : memref<10240xf32, #tpu.memory_space<vmem_shared>> -> memref<10240xf32, #tpu.memory_space<vmem_shared>>
      tpu.enqueue_indirect_dma source(%arg17 : memref<128xf32, #tpu.memory_space<vmem>>) target(%dma_start3A_160 : memref<10240xf32, #tpu.memory_space<vmem_shared>>) offsets(%dma_start3A_158 : memref<128xi32, #tpu.memory_space<vmem>>) semaphore(%arg18 : memref<!tpu.dma_semaphore, #tpu.memory_space<semaphore_mem>>) {add = true}
      %run_scoped3A_161 = arith.constant 0 : i32
      "tpu.region"() ({
        %run_scoped3A_194 = tpu.sem_alloc : memref<!tpu.dma_semaphore, #tpu.memory_space<semaphore_mem>>
        %dma_start3A_195 = arith.constant 0 : i32
        %dma_start3A_196 = arith.constant 0 : i32
        %dma_start3A_197 = tpu.memref_slice %arg11[%run_scoped3A_161, %dma_start3A_195, %dma_start3A_196] : memref<2x128x128xf32, #tpu.memory_space<vmem>> -> memref<1x128x128xf32, #tpu.memory_space<vmem>>
        %dma_start3A_198 = tpu.memref_squeeze %dma_start3A_197 : memref<1x128x128xf32, #tpu.memory_space<vmem>> -> memref<128x128xf32, #tpu.memory_space<vmem>>
        %dma_start3A_199 = arith.constant 0 : i32
        %dma_start3A_200 = tpu.memref_slice %arg10[%add3A_144, %dma_start3A_199] : memref<40x128xi32, #tpu.memory_space<vmem>> -> memref<1x128xi32, #tpu.memory_space<vmem>>
        %dma_start3A_201 = tpu.memref_squeeze %dma_start3A_200 : memref<1x128xi32, #tpu.memory_space<vmem>> -> memref<128xi32, #tpu.memory_space<vmem>>
        %dma_start3A_202 = arith.constant 0 : i32
        %dma_start3A_203 = arith.constant 0 : i32
        %dma_start3A_204 = tpu.memref_slice %arg8[%dma_start3A_202, %dma_start3A_203] : memref<10240x128xf32, #tpu.memory_space<vmem_shared>> -> memref<10240x128xf32, #tpu.memory_space<vmem_shared>>
        tpu.enqueue_indirect_dma source(%dma_start3A_198 : memref<128x128xf32, #tpu.memory_space<vmem>>) target(%dma_start3A_204 : memref<10240x128xf32, #tpu.memory_space<vmem_shared>>) offsets(%dma_start3A_201 : memref<128xi32, #tpu.memory_space<vmem>>) semaphore(%run_scoped3A_194 : memref<!tpu.dma_semaphore, #tpu.memory_space<semaphore_mem>>) {add = true}
        %dma_wait3A_205 = arith.constant 0 : i32
        %dma_wait3A_206 = arith.constant 0 : i32
        %dma_wait3A_207 = tpu.memref_slice %arg11[%run_scoped3A_161, %dma_wait3A_205, %dma_wait3A_206] : memref<2x128x128xf32, #tpu.memory_space<vmem>> -> memref<1x128x128xf32, #tpu.memory_space<vmem>>
        %dma_wait3A_208 = tpu.memref_squeeze %dma_wait3A_207 : memref<1x128x128xf32, #tpu.memory_space<vmem>> -> memref<128x128xf32, #tpu.memory_space<vmem>>
        %dma_wait3A_209 = arith.constant 0 : i32
        %dma_wait3A_210 = tpu.memref_slice %arg10[%add3A_144, %dma_wait3A_209] : memref<40x128xi32, #tpu.memory_space<vmem>> -> memref<1x128xi32, #tpu.memory_space<vmem>>
        %dma_wait3A_211 = tpu.memref_squeeze %dma_wait3A_210 : memref<1x128xi32, #tpu.memory_space<vmem>> -> memref<128xi32, #tpu.memory_space<vmem>>
        %dma_wait3A_212 = arith.constant 0 : i32
        %dma_wait3A_213 = arith.constant 0 : i32
        %dma_wait3A_214 = tpu.memref_slice %arg8[%dma_wait3A_212, %dma_wait3A_213] : memref<10240x128xf32, #tpu.memory_space<vmem_shared>> -> memref<10240x128xf32, #tpu.memory_space<vmem_shared>>
        tpu.wait_indirect_dma semaphore(%run_scoped3A_194 : memref<!tpu.dma_semaphore, #tpu.memory_space<semaphore_mem>>) src(%dma_wait3A_208 : memref<128x128xf32, #tpu.memory_space<vmem>>) dst(%dma_wait3A_214 : memref<10240x128xf32, #tpu.memory_space<vmem_shared>>)
        tpu.yield
      }) : () -> ()
      %add3A_162 = arith.constant 2 : i32
      %add3A_163 = arith.addi %add3A_144, %add3A_162 : i32
      %lt3A = arith.constant 40 : i32
      %lt3A_164 = arith.cmpi slt, %add3A_163, %lt3A : i32
      %convert_element_type3A = arith.extui %lt3A_164 : i1 to i32
      %cond3A = arith.constant 0 : i32
      %cond3A_165 = arith.cmpi ne, %convert_element_type3A, %cond3A : i32
      scf.if %cond3A_165 {
        %dma_start3A_194 = arith.constant 0 : i32
        %dma_start3A_195 = arith.constant 0 : i32
        %dma_start3A_196 = arith.constant 0 : i32
        %dma_start3A_197 = tpu.memref_slice %arg11[%dma_start3A_194, %dma_start3A_195, %dma_start3A_196] : memref<2x128x128xf32, #tpu.memory_space<vmem>> -> memref<1x128x128xf32, #tpu.memory_space<vmem>>
        %dma_start3A_198 = tpu.memref_squeeze %dma_start3A_197 : memref<1x128x128xf32, #tpu.memory_space<vmem>> -> memref<128x128xf32, #tpu.memory_space<vmem>>
        %dma_start3A_199 = arith.constant 0 : i32
        %dma_start3A_200 = tpu.memref_slice %arg9[%add3A_163, %dma_start3A_199] : memref<40x128xi32, #tpu.memory_space<vmem>> -> memref<1x128xi32, #tpu.memory_space<vmem>>
        %dma_start3A_201 = tpu.memref_squeeze %dma_start3A_200 : memref<1x128xi32, #tpu.memory_space<vmem>> -> memref<128xi32, #tpu.memory_space<vmem>>
        %dma_start3A_202 = arith.constant 0 : i32
        %dma_start3A_203 = arith.constant 0 : i32
        %dma_start3A_204 = tpu.memref_slice %arg2[%dma_start3A_202, %dma_start3A_203] : memref<10000x128xf32, #tpu.memory_space<hbm>> -> memref<10000x128xf32, #tpu.memory_space<hbm>>
        tpu.enqueue_indirect_dma source(%dma_start3A_204 : memref<10000x128xf32, #tpu.memory_space<hbm>>) target(%dma_start3A_198 : memref<128x128xf32, #tpu.memory_space<vmem>>) offsets(%dma_start3A_201 : memref<128xi32, #tpu.memory_space<vmem>>) semaphore(%arg12 : memref<!tpu.dma_semaphore, #tpu.memory_space<semaphore_mem>>)
      } else {
      }
      %mul3A_166 = arith.constant 2 : i32
      %mul3A_167 = arith.muli %scan3A_140, %mul3A_166 : i32
      %add3A_168 = arith.constant 1 : i32
      %add3A_169 = arith.addi %mul3A_167, %add3A_168 : i32
      %dma_wait3A_170 = arith.constant 1 : i32
      %dma_wait3A_171 = arith.constant 0 : i32
      %dma_wait3A_172 = arith.constant 0 : i32
      %dma_wait3A_173 = tpu.memref_slice %arg11[%dma_wait3A_170, %dma_wait3A_171, %dma_wait3A_172] : memref<2x128x128xf32, #tpu.memory_space<vmem>> -> memref<1x128x128xf32, #tpu.memory_space<vmem>>
      %dma_wait3A_174 = tpu.memref_squeeze %dma_wait3A_173 : memref<1x128x128xf32, #tpu.memory_space<vmem>> -> memref<128x128xf32, #tpu.memory_space<vmem>>
      %dma_wait3A_175 = arith.constant 0 : i32
      %dma_wait3A_176 = tpu.memref_slice %arg9[%add3A_169, %dma_wait3A_175] : memref<40x128xi32, #tpu.memory_space<vmem>> -> memref<1x128xi32, #tpu.memory_space<vmem>>
      %dma_wait3A_177 = tpu.memref_squeeze %dma_wait3A_176 : memref<1x128xi32, #tpu.memory_space<vmem>> -> memref<128xi32, #tpu.memory_space<vmem>>
      %dma_wait3A_178 = arith.constant 0 : i32
      %dma_wait3A_179 = arith.constant 0 : i32
      %dma_wait3A_180 = tpu.memref_slice %arg2[%dma_wait3A_178, %dma_wait3A_179] : memref<10000x128xf32, #tpu.memory_space<hbm>> -> memref<10000x128xf32, #tpu.memory_space<hbm>>
      tpu.wait_indirect_dma semaphore(%arg13 : memref<!tpu.dma_semaphore, #tpu.memory_space<semaphore_mem>>) src(%dma_wait3A_180 : memref<10000x128xf32, #tpu.memory_space<hbm>>) dst(%dma_wait3A_174 : memref<128x128xf32, #tpu.memory_space<vmem>>)
      %dma_start3A_181 = arith.constant 0 : i32
      %dma_start3A_182 = tpu.memref_slice %arg10[%add3A_169, %dma_start3A_181] : memref<40x128xi32, #tpu.memory_space<vmem>> -> memref<1x128xi32, #tpu.memory_space<vmem>>
      %dma_start3A_183 = tpu.memref_squeeze %dma_start3A_182 : memref<1x128xi32, #tpu.memory_space<vmem>> -> memref<128xi32, #tpu.memory_space<vmem>>
      %dma_start3A_184 = arith.constant 0 : i32
      %dma_start3A_185 = tpu.memref_slice %arg16[%dma_start3A_184] : memref<10240xf32, #tpu.memory_space<vmem_shared>> -> memref<10240xf32, #tpu.memory_space<vmem_shared>>
      tpu.enqueue_indirect_dma source(%arg17 : memref<128xf32, #tpu.memory_space<vmem>>) target(%dma_start3A_185 : memref<10240xf32, #tpu.memory_space<vmem_shared>>) offsets(%dma_start3A_183 : memref<128xi32, #tpu.memory_space<vmem>>) semaphore(%arg18 : memref<!tpu.dma_semaphore, #tpu.memory_space<semaphore_mem>>) {add = true}
      %run_scoped3A_186 = arith.constant 1 : i32
      "tpu.region"() ({
        %run_scoped3A_194 = tpu.sem_alloc : memref<!tpu.dma_semaphore, #tpu.memory_space<semaphore_mem>>
        %dma_start3A_195 = arith.constant 0 : i32
        %dma_start3A_196 = arith.constant 0 : i32
        %dma_start3A_197 = tpu.memref_slice %arg11[%run_scoped3A_186, %dma_start3A_195, %dma_start3A_196] : memref<2x128x128xf32, #tpu.memory_space<vmem>> -> memref<1x128x128xf32, #tpu.memory_space<vmem>>
        %dma_start3A_198 = tpu.memref_squeeze %dma_start3A_197 : memref<1x128x128xf32, #tpu.memory_space<vmem>> -> memref<128x128xf32, #tpu.memory_space<vmem>>
        %dma_start3A_199 = arith.constant 0 : i32
        %dma_start3A_200 = tpu.memref_slice %arg10[%add3A_169, %dma_start3A_199] : memref<40x128xi32, #tpu.memory_space<vmem>> -> memref<1x128xi32, #tpu.memory_space<vmem>>
        %dma_start3A_201 = tpu.memref_squeeze %dma_start3A_200 : memref<1x128xi32, #tpu.memory_space<vmem>> -> memref<128xi32, #tpu.memory_space<vmem>>
        %dma_start3A_202 = arith.constant 0 : i32
        %dma_start3A_203 = arith.constant 0 : i32
        %dma_start3A_204 = tpu.memref_slice %arg8[%dma_start3A_202, %dma_start3A_203] : memref<10240x128xf32, #tpu.memory_space<vmem_shared>> -> memref<10240x128xf32, #tpu.memory_space<vmem_shared>>
        tpu.enqueue_indirect_dma source(%dma_start3A_198 : memref<128x128xf32, #tpu.memory_space<vmem>>) target(%dma_start3A_204 : memref<10240x128xf32, #tpu.memory_space<vmem_shared>>) offsets(%dma_start3A_201 : memref<128xi32, #tpu.memory_space<vmem>>) semaphore(%run_scoped3A_194 : memref<!tpu.dma_semaphore, #tpu.memory_space<semaphore_mem>>) {add = true}
        %dma_wait3A_205 = arith.constant 0 : i32
        %dma_wait3A_206 = arith.constant 0 : i32
        %dma_wait3A_207 = tpu.memref_slice %arg11[%run_scoped3A_186, %dma_wait3A_205, %dma_wait3A_206] : memref<2x128x128xf32, #tpu.memory_space<vmem>> -> memref<1x128x128xf32, #tpu.memory_space<vmem>>
        %dma_wait3A_208 = tpu.memref_squeeze %dma_wait3A_207 : memref<1x128x128xf32, #tpu.memory_space<vmem>> -> memref<128x128xf32, #tpu.memory_space<vmem>>
        %dma_wait3A_209 = arith.constant 0 : i32
        %dma_wait3A_210 = tpu.memref_slice %arg10[%add3A_169, %dma_wait3A_209] : memref<40x128xi32, #tpu.memory_space<vmem>> -> memref<1x128xi32, #tpu.memory_space<vmem>>
        %dma_wait3A_211 = tpu.memref_squeeze %dma_wait3A_210 : memref<1x128xi32, #tpu.memory_space<vmem>> -> memref<128xi32, #tpu.memory_space<vmem>>
        %dma_wait3A_212 = arith.constant 0 : i32
        %dma_wait3A_213 = arith.constant 0 : i32
        %dma_wait3A_214 = tpu.memref_slice %arg8[%dma_wait3A_212, %dma_wait3A_213] : memref<10240x128xf32, #tpu.memory_space<vmem_shared>> -> memref<10240x128xf32, #tpu.memory_space<vmem_shared>>
        tpu.wait_indirect_dma semaphore(%run_scoped3A_194 : memref<!tpu.dma_semaphore, #tpu.memory_space<semaphore_mem>>) src(%dma_wait3A_208 : memref<128x128xf32, #tpu.memory_space<vmem>>) dst(%dma_wait3A_214 : memref<10240x128xf32, #tpu.memory_space<vmem_shared>>)
        tpu.yield
      }) : () -> ()
      %add3A_187 = arith.constant 2 : i32
      %add3A_188 = arith.addi %add3A_169, %add3A_187 : i32
      %lt3A_189 = arith.constant 40 : i32
      %lt3A_190 = arith.cmpi slt, %add3A_188, %lt3A_189 : i32
      %convert_element_type3A_191 = arith.extui %lt3A_190 : i1 to i32
      %cond3A_192 = arith.constant 0 : i32
      %cond3A_193 = arith.cmpi ne, %convert_element_type3A_191, %cond3A_192 : i32
      scf.if %cond3A_193 {
        %dma_start3A_194 = arith.constant 1 : i32
        %dma_start3A_195 = arith.constant 0 : i32
        %dma_start3A_196 = arith.constant 0 : i32
        %dma_start3A_197 = tpu.memref_slice %arg11[%dma_start3A_194, %dma_start3A_195, %dma_start3A_196] : memref<2x128x128xf32, #tpu.memory_space<vmem>> -> memref<1x128x128xf32, #tpu.memory_space<vmem>>
        %dma_start3A_198 = tpu.memref_squeeze %dma_start3A_197 : memref<1x128x128xf32, #tpu.memory_space<vmem>> -> memref<128x128xf32, #tpu.memory_space<vmem>>
        %dma_start3A_199 = arith.constant 0 : i32
        %dma_start3A_200 = tpu.memref_slice %arg9[%add3A_188, %dma_start3A_199] : memref<40x128xi32, #tpu.memory_space<vmem>> -> memref<1x128xi32, #tpu.memory_space<vmem>>
        %dma_start3A_201 = tpu.memref_squeeze %dma_start3A_200 : memref<1x128xi32, #tpu.memory_space<vmem>> -> memref<128xi32, #tpu.memory_space<vmem>>
        %dma_start3A_202 = arith.constant 0 : i32
        %dma_start3A_203 = arith.constant 0 : i32
        %dma_start3A_204 = tpu.memref_slice %arg2[%dma_start3A_202, %dma_start3A_203] : memref<10000x128xf32, #tpu.memory_space<hbm>> -> memref<10000x128xf32, #tpu.memory_space<hbm>>
        tpu.enqueue_indirect_dma source(%dma_start3A_204 : memref<10000x128xf32, #tpu.memory_space<hbm>>) target(%dma_start3A_198 : memref<128x128xf32, #tpu.memory_space<vmem>>) offsets(%dma_start3A_201 : memref<128xi32, #tpu.memory_space<vmem>>) semaphore(%arg13 : memref<!tpu.dma_semaphore, #tpu.memory_space<semaphore_mem>>)
      } else {
      }
    }
    %scan3A_92 = arith.constant 20 : i32
    %scan3A_93 = arith.constant 0 : i32
    %scan3A_94 = arith.constant 0 : i32
    %scan3A_95 = arith.constant 40 : i32
    %scan3A_96 = arith.addi %scan3A_94, %scan3A_95 : i32
    %scan3A_97 = arith.constant 1 : i32
    scf.for %scan3A_140 = %scan3A_94 to %scan3A_96 step %scan3A_97  : i32 {
      %dma_wait3A_141 = arith.constant 0 : i32
      %dma_wait3A_142 = arith.constant 0 : i32
      %dma_wait3A_143 = tpu.memref_slice %arg10[%dma_wait3A_141, %dma_wait3A_142] : memref<40x128xi32, #tpu.memory_space<vmem>> -> memref<1x128xi32, #tpu.memory_space<vmem>>
      %dma_wait3A_144 = tpu.memref_squeeze %dma_wait3A_143 : memref<1x128xi32, #tpu.memory_space<vmem>> -> memref<128xi32, #tpu.memory_space<vmem>>
      %dma_wait3A_145 = arith.constant 0 : i32
      %dma_wait3A_146 = tpu.memref_slice %arg16[%dma_wait3A_145] : memref<10240xf32, #tpu.memory_space<vmem_shared>> -> memref<10240xf32, #tpu.memory_space<vmem_shared>>
      tpu.wait_indirect_dma semaphore(%arg18 : memref<!tpu.dma_semaphore, #tpu.memory_space<semaphore_mem>>) src(%arg17 : memref<128xf32, #tpu.memory_space<vmem>>) dst(%dma_wait3A_146 : memref<10240xf32, #tpu.memory_space<vmem_shared>>)
    }
    %scan3A_98 = arith.constant 40 : i32
    %add3A_99 = arith.constant 40 : i32
    %add3A_100 = arith.addi %mul3A_55, %add3A_99 : i32
    %run_scoped3A_101 = arith.constant 0 : i32
    "tpu.region"() ({
      %run_scoped3A_140 = tpu.sem_alloc : memref<!tpu.dma_semaphore, #tpu.memory_space<semaphore_mem>>
      %dma_start3A_141 = arith.constant 0 : i32
      %dma_start3A_142 = tpu.memref_slice %arg3[%run_scoped3A_101, %add3A_100, %dma_start3A_141] : memref<2x2560x128xi32, #tpu.memory_space<hbm>> -> memref<1x40x128xi32, #tpu.memory_space<hbm>>
      %dma_start3A_143 = tpu.memref_squeeze %dma_start3A_142 : memref<1x40x128xi32, #tpu.memory_space<hbm>> -> memref<40x128xi32, #tpu.memory_space<hbm>>
      %dma_start3A_144 = arith.constant 0 : i32
      %dma_start3A_145 = tpu.memref_slice %arg3[%run_scoped3A_101, %add3A_100, %dma_start3A_144] : memref<2x2560x128xi32, #tpu.memory_space<hbm>> -> memref<1x40x128xi32, #tpu.memory_space<hbm>>
      %dma_start3A_146 = tpu.memref_squeeze %dma_start3A_145 : memref<1x40x128xi32, #tpu.memory_space<hbm>> -> memref<40x128xi32, #tpu.memory_space<hbm>>
      tpu.enqueue_dma source(%dma_start3A_146 : memref<40x128xi32, #tpu.memory_space<hbm>>) target(%arg9 : memref<40x128xi32, #tpu.memory_space<vmem>>) target_semaphore(%run_scoped3A_140 : memref<!tpu.dma_semaphore, #tpu.memory_space<semaphore_mem>>)
      %dma_wait3A_147 = arith.constant 0 : i32
      %dma_wait3A_148 = tpu.memref_slice %arg3[%run_scoped3A_101, %add3A_100, %dma_wait3A_147] : memref<2x2560x128xi32, #tpu.memory_space<hbm>> -> memref<1x40x128xi32, #tpu.memory_space<hbm>>
      %dma_wait3A_149 = tpu.memref_squeeze %dma_wait3A_148 : memref<1x40x128xi32, #tpu.memory_space<hbm>> -> memref<40x128xi32, #tpu.memory_space<hbm>>
      %dma_wait3A_150 = arith.constant 0 : i32
      %dma_wait3A_151 = tpu.memref_slice %arg3[%run_scoped3A_101, %add3A_100, %dma_wait3A_150] : memref<2x2560x128xi32, #tpu.memory_space<hbm>> -> memref<1x40x128xi32, #tpu.memory_space<hbm>>
      %dma_wait3A_152 = tpu.memref_squeeze %dma_wait3A_151 : memref<1x40x128xi32, #tpu.memory_space<hbm>> -> memref<40x128xi32, #tpu.memory_space<hbm>>
      tpu.wait_dma2 semaphore(%run_scoped3A_140 : memref<!tpu.dma_semaphore, #tpu.memory_space<semaphore_mem>>) src(%dma_wait3A_152 : memref<40x128xi32, #tpu.memory_space<hbm>>) dst(%arg9 : memref<40x128xi32, #tpu.memory_space<vmem>>)
      tpu.yield
    }) : () -> ()
    %run_scoped3A_102 = arith.constant 1 : i32
    "tpu.region"() ({
      %run_scoped3A_140 = tpu.sem_alloc : memref<!tpu.dma_semaphore, #tpu.memory_space<semaphore_mem>>
      %dma_start3A_141 = arith.constant 0 : i32
      %dma_start3A_142 = tpu.memref_slice %arg3[%run_scoped3A_102, %add3A_100, %dma_start3A_141] : memref<2x2560x128xi32, #tpu.memory_space<hbm>> -> memref<1x40x128xi32, #tpu.memory_space<hbm>>
      %dma_start3A_143 = tpu.memref_squeeze %dma_start3A_142 : memref<1x40x128xi32, #tpu.memory_space<hbm>> -> memref<40x128xi32, #tpu.memory_space<hbm>>
      %dma_start3A_144 = arith.constant 0 : i32
      %dma_start3A_145 = tpu.memref_slice %arg3[%run_scoped3A_102, %add3A_100, %dma_start3A_144] : memref<2x2560x128xi32, #tpu.memory_space<hbm>> -> memref<1x40x128xi32, #tpu.memory_space<hbm>>
      %dma_start3A_146 = tpu.memref_squeeze %dma_start3A_145 : memref<1x40x128xi32, #tpu.memory_space<hbm>> -> memref<40x128xi32, #tpu.memory_space<hbm>>
      tpu.enqueue_dma source(%dma_start3A_146 : memref<40x128xi32, #tpu.memory_space<hbm>>) target(%arg10 : memref<40x128xi32, #tpu.memory_space<vmem>>) target_semaphore(%run_scoped3A_140 : memref<!tpu.dma_semaphore, #tpu.memory_space<semaphore_mem>>)
      %dma_wait3A_147 = arith.constant 0 : i32
      %dma_wait3A_148 = tpu.memref_slice %arg3[%run_scoped3A_102, %add3A_100, %dma_wait3A_147] : memref<2x2560x128xi32, #tpu.memory_space<hbm>> -> memref<1x40x128xi32, #tpu.memory_space<hbm>>
      %dma_wait3A_149 = tpu.memref_squeeze %dma_wait3A_148 : memref<1x40x128xi32, #tpu.memory_space<hbm>> -> memref<40x128xi32, #tpu.memory_space<hbm>>
      %dma_wait3A_150 = arith.constant 0 : i32
      %dma_wait3A_151 = tpu.memref_slice %arg3[%run_scoped3A_102, %add3A_100, %dma_wait3A_150] : memref<2x2560x128xi32, #tpu.memory_space<hbm>> -> memref<1x40x128xi32, #tpu.memory_space<hbm>>
      %dma_wait3A_152 = tpu.memref_squeeze %dma_wait3A_151 : memref<1x40x128xi32, #tpu.memory_space<hbm>> -> memref<40x128xi32, #tpu.memory_space<hbm>>
      tpu.wait_dma2 semaphore(%run_scoped3A_140 : memref<!tpu.dma_semaphore, #tpu.memory_space<semaphore_mem>>) src(%dma_wait3A_152 : memref<40x128xi32, #tpu.memory_space<hbm>>) dst(%arg10 : memref<40x128xi32, #tpu.memory_space<vmem>>)
      tpu.yield
    }) : () -> ()
    %dma_start3A_103 = arith.constant 0 : i32
    %dma_start3A_104 = arith.constant 0 : i32
    %dma_start3A_105 = arith.constant 0 : i32
    %dma_start3A_106 = arith.constant 0 : i32
    %dma_start3A_107 = tpu.memref_slice %arg11[%dma_start3A_104, %dma_start3A_105, %dma_start3A_106] : memref<2x128x128xf32, #tpu.memory_space<vmem>> -> memref<1x128x128xf32, #tpu.memory_space<vmem>>
    %dma_start3A_108 = tpu.memref_squeeze %dma_start3A_107 : memref<1x128x128xf32, #tpu.memory_space<vmem>> -> memref<128x128xf32, #tpu.memory_space<vmem>>
    %dma_start3A_109 = arith.constant 0 : i32
    %dma_start3A_110 = tpu.memref_slice %arg9[%dma_start3A_103, %dma_start3A_109] : memref<40x128xi32, #tpu.memory_space<vmem>> -> memref<1x128xi32, #tpu.memory_space<vmem>>
    %dma_start3A_111 = tpu.memref_squeeze %dma_start3A_110 : memref<1x128xi32, #tpu.memory_space<vmem>> -> memref<128xi32, #tpu.memory_space<vmem>>
    %dma_start3A_112 = arith.constant 0 : i32
    %dma_start3A_113 = arith.constant 0 : i32
    %dma_start3A_114 = tpu.memref_slice %arg2[%dma_start3A_112, %dma_start3A_113] : memref<10000x128xf32, #tpu.memory_space<hbm>> -> memref<10000x128xf32, #tpu.memory_space<hbm>>
    tpu.enqueue_indirect_dma source(%dma_start3A_114 : memref<10000x128xf32, #tpu.memory_space<hbm>>) target(%dma_start3A_108 : memref<128x128xf32, #tpu.memory_space<vmem>>) offsets(%dma_start3A_111 : memref<128xi32, #tpu.memory_space<vmem>>) semaphore(%arg12 : memref<!tpu.dma_semaphore, #tpu.memory_space<semaphore_mem>>)
    %dma_start3A_115 = arith.constant 1 : i32
    %dma_start3A_116 = arith.constant 1 : i32
    %dma_start3A_117 = arith.constant 0 : i32
    %dma_start3A_118 = arith.constant 0 : i32
    %dma_start3A_119 = tpu.memref_slice %arg11[%dma_start3A_116, %dma_start3A_117, %dma_start3A_118] : memref<2x128x128xf32, #tpu.memory_space<vmem>> -> memref<1x128x128xf32, #tpu.memory_space<vmem>>
    %dma_start3A_120 = tpu.memref_squeeze %dma_start3A_119 : memref<1x128x128xf32, #tpu.memory_space<vmem>> -> memref<128x128xf32, #tpu.memory_space<vmem>>
    %dma_start3A_121 = arith.constant 0 : i32
    %dma_start3A_122 = tpu.memref_slice %arg9[%dma_start3A_115, %dma_start3A_121] : memref<40x128xi32, #tpu.memory_space<vmem>> -> memref<1x128xi32, #tpu.memory_space<vmem>>
    %dma_start3A_123 = tpu.memref_squeeze %dma_start3A_122 : memref<1x128xi32, #tpu.memory_space<vmem>> -> memref<128xi32, #tpu.memory_space<vmem>>
    %dma_start3A_124 = arith.constant 0 : i32
    %dma_start3A_125 = arith.constant 0 : i32
    %dma_start3A_126 = tpu.memref_slice %arg2[%dma_start3A_124, %dma_start3A_125] : memref<10000x128xf32, #tpu.memory_space<hbm>> -> memref<10000x128xf32, #tpu.memory_space<hbm>>
    tpu.enqueue_indirect_dma source(%dma_start3A_126 : memref<10000x128xf32, #tpu.memory_space<hbm>>) target(%dma_start3A_120 : memref<128x128xf32, #tpu.memory_space<vmem>>) offsets(%dma_start3A_123 : memref<128xi32, #tpu.memory_space<vmem>>) semaphore(%arg13 : memref<!tpu.dma_semaphore, #tpu.memory_space<semaphore_mem>>)
    %scan3A_127 = arith.constant 0 : i32
    %scan3A_128 = arith.constant 0 : i32
    %scan3A_129 = arith.constant 20 : i32
    %scan3A_130 = arith.addi %scan3A_128, %scan3A_129 : i32
    %scan3A_131 = arith.constant 1 : i32
    scf.for %scan3A_140 = %scan3A_128 to %scan3A_130 step %scan3A_131  : i32 {
      %mul3A_141 = arith.constant 2 : i32
      %mul3A_142 = arith.muli %scan3A_140, %mul3A_141 : i32
      %add3A_143 = arith.constant 0 : i32
      %add3A_144 = arith.addi %mul3A_142, %add3A_143 : i32
      %dma_wait3A_145 = arith.constant 0 : i32
      %dma_wait3A_146 = arith.constant 0 : i32
      %dma_wait3A_147 = arith.constant 0 : i32
      %dma_wait3A_148 = tpu.memref_slice %arg11[%dma_wait3A_145, %dma_wait3A_146, %dma_wait3A_147] : memref<2x128x128xf32, #tpu.memory_space<vmem>> -> memref<1x128x128xf32, #tpu.memory_space<vmem>>
      %dma_wait3A_149 = tpu.memref_squeeze %dma_wait3A_148 : memref<1x128x128xf32, #tpu.memory_space<vmem>> -> memref<128x128xf32, #tpu.memory_space<vmem>>
      %dma_wait3A_150 = arith.constant 0 : i32
      %dma_wait3A_151 = tpu.memref_slice %arg9[%add3A_144, %dma_wait3A_150] : memref<40x128xi32, #tpu.memory_space<vmem>> -> memref<1x128xi32, #tpu.memory_space<vmem>>
      %dma_wait3A_152 = tpu.memref_squeeze %dma_wait3A_151 : memref<1x128xi32, #tpu.memory_space<vmem>> -> memref<128xi32, #tpu.memory_space<vmem>>
      %dma_wait3A_153 = arith.constant 0 : i32
      %dma_wait3A_154 = arith.constant 0 : i32
      %dma_wait3A_155 = tpu.memref_slice %arg2[%dma_wait3A_153, %dma_wait3A_154] : memref<10000x128xf32, #tpu.memory_space<hbm>> -> memref<10000x128xf32, #tpu.memory_space<hbm>>
      tpu.wait_indirect_dma semaphore(%arg12 : memref<!tpu.dma_semaphore, #tpu.memory_space<semaphore_mem>>) src(%dma_wait3A_155 : memref<10000x128xf32, #tpu.memory_space<hbm>>) dst(%dma_wait3A_149 : memref<128x128xf32, #tpu.memory_space<vmem>>)
      %dma_start3A_156 = arith.constant 0 : i32
      %dma_start3A_157 = tpu.memref_slice %arg10[%add3A_144, %dma_start3A_156] : memref<40x128xi32, #tpu.memory_space<vmem>> -> memref<1x128xi32, #tpu.memory_space<vmem>>
      %dma_start3A_158 = tpu.memref_squeeze %dma_start3A_157 : memref<1x128xi32, #tpu.memory_space<vmem>> -> memref<128xi32, #tpu.memory_space<vmem>>
      %dma_start3A_159 = arith.constant 0 : i32
      %dma_start3A_160 = tpu.memref_slice %arg16[%dma_start3A_159] : memref<10240xf32, #tpu.memory_space<vmem_shared>> -> memref<10240xf32, #tpu.memory_space<vmem_shared>>
      tpu.enqueue_indirect_dma source(%arg17 : memref<128xf32, #tpu.memory_space<vmem>>) target(%dma_start3A_160 : memref<10240xf32, #tpu.memory_space<vmem_shared>>) offsets(%dma_start3A_158 : memref<128xi32, #tpu.memory_space<vmem>>) semaphore(%arg18 : memref<!tpu.dma_semaphore, #tpu.memory_space<semaphore_mem>>) {add = true}
      %run_scoped3A_161 = arith.constant 0 : i32
      "tpu.region"() ({
        %run_scoped3A_194 = tpu.sem_alloc : memref<!tpu.dma_semaphore, #tpu.memory_space<semaphore_mem>>
        %dma_start3A_195 = arith.constant 0 : i32
        %dma_start3A_196 = arith.constant 0 : i32
        %dma_start3A_197 = tpu.memref_slice %arg11[%run_scoped3A_161, %dma_start3A_195, %dma_start3A_196] : memref<2x128x128xf32, #tpu.memory_space<vmem>> -> memref<1x128x128xf32, #tpu.memory_space<vmem>>
        %dma_start3A_198 = tpu.memref_squeeze %dma_start3A_197 : memref<1x128x128xf32, #tpu.memory_space<vmem>> -> memref<128x128xf32, #tpu.memory_space<vmem>>
        %dma_start3A_199 = arith.constant 0 : i32
        %dma_start3A_200 = tpu.memref_slice %arg10[%add3A_144, %dma_start3A_199] : memref<40x128xi32, #tpu.memory_space<vmem>> -> memref<1x128xi32, #tpu.memory_space<vmem>>
        %dma_start3A_201 = tpu.memref_squeeze %dma_start3A_200 : memref<1x128xi32, #tpu.memory_space<vmem>> -> memref<128xi32, #tpu.memory_space<vmem>>
        %dma_start3A_202 = arith.constant 0 : i32
        %dma_start3A_203 = arith.constant 0 : i32
        %dma_start3A_204 = tpu.memref_slice %arg8[%dma_start3A_202, %dma_start3A_203] : memref<10240x128xf32, #tpu.memory_space<vmem_shared>> -> memref<10240x128xf32, #tpu.memory_space<vmem_shared>>
        tpu.enqueue_indirect_dma source(%dma_start3A_198 : memref<128x128xf32, #tpu.memory_space<vmem>>) target(%dma_start3A_204 : memref<10240x128xf32, #tpu.memory_space<vmem_shared>>) offsets(%dma_start3A_201 : memref<128xi32, #tpu.memory_space<vmem>>) semaphore(%run_scoped3A_194 : memref<!tpu.dma_semaphore, #tpu.memory_space<semaphore_mem>>) {add = true}
        %dma_wait3A_205 = arith.constant 0 : i32
        %dma_wait3A_206 = arith.constant 0 : i32
        %dma_wait3A_207 = tpu.memref_slice %arg11[%run_scoped3A_161, %dma_wait3A_205, %dma_wait3A_206] : memref<2x128x128xf32, #tpu.memory_space<vmem>> -> memref<1x128x128xf32, #tpu.memory_space<vmem>>
        %dma_wait3A_208 = tpu.memref_squeeze %dma_wait3A_207 : memref<1x128x128xf32, #tpu.memory_space<vmem>> -> memref<128x128xf32, #tpu.memory_space<vmem>>
        %dma_wait3A_209 = arith.constant 0 : i32
        %dma_wait3A_210 = tpu.memref_slice %arg10[%add3A_144, %dma_wait3A_209] : memref<40x128xi32, #tpu.memory_space<vmem>> -> memref<1x128xi32, #tpu.memory_space<vmem>>
        %dma_wait3A_211 = tpu.memref_squeeze %dma_wait3A_210 : memref<1x128xi32, #tpu.memory_space<vmem>> -> memref<128xi32, #tpu.memory_space<vmem>>
        %dma_wait3A_212 = arith.constant 0 : i32
        %dma_wait3A_213 = arith.constant 0 : i32
        %dma_wait3A_214 = tpu.memref_slice %arg8[%dma_wait3A_212, %dma_wait3A_213] : memref<10240x128xf32, #tpu.memory_space<vmem_shared>> -> memref<10240x128xf32, #tpu.memory_space<vmem_shared>>
        tpu.wait_indirect_dma semaphore(%run_scoped3A_194 : memref<!tpu.dma_semaphore, #tpu.memory_space<semaphore_mem>>) src(%dma_wait3A_208 : memref<128x128xf32, #tpu.memory_space<vmem>>) dst(%dma_wait3A_214 : memref<10240x128xf32, #tpu.memory_space<vmem_shared>>)
        tpu.yield
      }) : () -> ()
      %add3A_162 = arith.constant 2 : i32
      %add3A_163 = arith.addi %add3A_144, %add3A_162 : i32
      %lt3A = arith.constant 40 : i32
      %lt3A_164 = arith.cmpi slt, %add3A_163, %lt3A : i32
      %convert_element_type3A = arith.extui %lt3A_164 : i1 to i32
      %cond3A = arith.constant 0 : i32
      %cond3A_165 = arith.cmpi ne, %convert_element_type3A, %cond3A : i32
      scf.if %cond3A_165 {
        %dma_start3A_194 = arith.constant 0 : i32
        %dma_start3A_195 = arith.constant 0 : i32
        %dma_start3A_196 = arith.constant 0 : i32
        %dma_start3A_197 = tpu.memref_slice %arg11[%dma_start3A_194, %dma_start3A_195, %dma_start3A_196] : memref<2x128x128xf32, #tpu.memory_space<vmem>> -> memref<1x128x128xf32, #tpu.memory_space<vmem>>
        %dma_start3A_198 = tpu.memref_squeeze %dma_start3A_197 : memref<1x128x128xf32, #tpu.memory_space<vmem>> -> memref<128x128xf32, #tpu.memory_space<vmem>>
        %dma_start3A_199 = arith.constant 0 : i32
        %dma_start3A_200 = tpu.memref_slice %arg9[%add3A_163, %dma_start3A_199] : memref<40x128xi32, #tpu.memory_space<vmem>> -> memref<1x128xi32, #tpu.memory_space<vmem>>
        %dma_start3A_201 = tpu.memref_squeeze %dma_start3A_200 : memref<1x128xi32, #tpu.memory_space<vmem>> -> memref<128xi32, #tpu.memory_space<vmem>>
        %dma_start3A_202 = arith.constant 0 : i32
        %dma_start3A_203 = arith.constant 0 : i32
        %dma_start3A_204 = tpu.memref_slice %arg2[%dma_start3A_202, %dma_start3A_203] : memref<10000x128xf32, #tpu.memory_space<hbm>> -> memref<10000x128xf32, #tpu.memory_space<hbm>>
        tpu.enqueue_indirect_dma source(%dma_start3A_204 : memref<10000x128xf32, #tpu.memory_space<hbm>>) target(%dma_start3A_198 : memref<128x128xf32, #tpu.memory_space<vmem>>) offsets(%dma_start3A_201 : memref<128xi32, #tpu.memory_space<vmem>>) semaphore(%arg12 : memref<!tpu.dma_semaphore, #tpu.memory_space<semaphore_mem>>)
      } else {
      }
      %mul3A_166 = arith.constant 2 : i32
      %mul3A_167 = arith.muli %scan3A_140, %mul3A_166 : i32
      %add3A_168 = arith.constant 1 : i32
      %add3A_169 = arith.addi %mul3A_167, %add3A_168 : i32
      %dma_wait3A_170 = arith.constant 1 : i32
      %dma_wait3A_171 = arith.constant 0 : i32
      %dma_wait3A_172 = arith.constant 0 : i32
      %dma_wait3A_173 = tpu.memref_slice %arg11[%dma_wait3A_170, %dma_wait3A_171, %dma_wait3A_172] : memref<2x128x128xf32, #tpu.memory_space<vmem>> -> memref<1x128x128xf32, #tpu.memory_space<vmem>>
      %dma_wait3A_174 = tpu.memref_squeeze %dma_wait3A_173 : memref<1x128x128xf32, #tpu.memory_space<vmem>> -> memref<128x128xf32, #tpu.memory_space<vmem>>
      %dma_wait3A_175 = arith.constant 0 : i32
      %dma_wait3A_176 = tpu.memref_slice %arg9[%add3A_169, %dma_wait3A_175] : memref<40x128xi32, #tpu.memory_space<vmem>> -> memref<1x128xi32, #tpu.memory_space<vmem>>
      %dma_wait3A_177 = tpu.memref_squeeze %dma_wait3A_176 : memref<1x128xi32, #tpu.memory_space<vmem>> -> memref<128xi32, #tpu.memory_space<vmem>>
      %dma_wait3A_178 = arith.constant 0 : i32
      %dma_wait3A_179 = arith.constant 0 : i32
      %dma_wait3A_180 = tpu.memref_slice %arg2[%dma_wait3A_178, %dma_wait3A_179] : memref<10000x128xf32, #tpu.memory_space<hbm>> -> memref<10000x128xf32, #tpu.memory_space<hbm>>
      tpu.wait_indirect_dma semaphore(%arg13 : memref<!tpu.dma_semaphore, #tpu.memory_space<semaphore_mem>>) src(%dma_wait3A_180 : memref<10000x128xf32, #tpu.memory_space<hbm>>) dst(%dma_wait3A_174 : memref<128x128xf32, #tpu.memory_space<vmem>>)
      %dma_start3A_181 = arith.constant 0 : i32
      %dma_start3A_182 = tpu.memref_slice %arg10[%add3A_169, %dma_start3A_181] : memref<40x128xi32, #tpu.memory_space<vmem>> -> memref<1x128xi32, #tpu.memory_space<vmem>>
      %dma_start3A_183 = tpu.memref_squeeze %dma_start3A_182 : memref<1x128xi32, #tpu.memory_space<vmem>> -> memref<128xi32, #tpu.memory_space<vmem>>
      %dma_start3A_184 = arith.constant 0 : i32
      %dma_start3A_185 = tpu.memref_slice %arg16[%dma_start3A_184] : memref<10240xf32, #tpu.memory_space<vmem_shared>> -> memref<10240xf32, #tpu.memory_space<vmem_shared>>
      tpu.enqueue_indirect_dma source(%arg17 : memref<128xf32, #tpu.memory_space<vmem>>) target(%dma_start3A_185 : memref<10240xf32, #tpu.memory_space<vmem_shared>>) offsets(%dma_start3A_183 : memref<128xi32, #tpu.memory_space<vmem>>) semaphore(%arg18 : memref<!tpu.dma_semaphore, #tpu.memory_space<semaphore_mem>>) {add = true}
      %run_scoped3A_186 = arith.constant 1 : i32
      "tpu.region"() ({
        %run_scoped3A_194 = tpu.sem_alloc : memref<!tpu.dma_semaphore, #tpu.memory_space<semaphore_mem>>
        %dma_start3A_195 = arith.constant 0 : i32
        %dma_start3A_196 = arith.constant 0 : i32
        %dma_start3A_197 = tpu.memref_slice %arg11[%run_scoped3A_186, %dma_start3A_195, %dma_start3A_196] : memref<2x128x128xf32, #tpu.memory_space<vmem>> -> memref<1x128x128xf32, #tpu.memory_space<vmem>>
        %dma_start3A_198 = tpu.memref_squeeze %dma_start3A_197 : memref<1x128x128xf32, #tpu.memory_space<vmem>> -> memref<128x128xf32, #tpu.memory_space<vmem>>
        %dma_start3A_199 = arith.constant 0 : i32
        %dma_start3A_200 = tpu.memref_slice %arg10[%add3A_169, %dma_start3A_199] : memref<40x128xi32, #tpu.memory_space<vmem>> -> memref<1x128xi32, #tpu.memory_space<vmem>>
        %dma_start3A_201 = tpu.memref_squeeze %dma_start3A_200 : memref<1x128xi32, #tpu.memory_space<vmem>> -> memref<128xi32, #tpu.memory_space<vmem>>
        %dma_start3A_202 = arith.constant 0 : i32
        %dma_start3A_203 = arith.constant 0 : i32
        %dma_start3A_204 = tpu.memref_slice %arg8[%dma_start3A_202, %dma_start3A_203] : memref<10240x128xf32, #tpu.memory_space<vmem_shared>> -> memref<10240x128xf32, #tpu.memory_space<vmem_shared>>
        tpu.enqueue_indirect_dma source(%dma_start3A_198 : memref<128x128xf32, #tpu.memory_space<vmem>>) target(%dma_start3A_204 : memref<10240x128xf32, #tpu.memory_space<vmem_shared>>) offsets(%dma_start3A_201 : memref<128xi32, #tpu.memory_space<vmem>>) semaphore(%run_scoped3A_194 : memref<!tpu.dma_semaphore, #tpu.memory_space<semaphore_mem>>) {add = true}
        %dma_wait3A_205 = arith.constant 0 : i32
        %dma_wait3A_206 = arith.constant 0 : i32
        %dma_wait3A_207 = tpu.memref_slice %arg11[%run_scoped3A_186, %dma_wait3A_205, %dma_wait3A_206] : memref<2x128x128xf32, #tpu.memory_space<vmem>> -> memref<1x128x128xf32, #tpu.memory_space<vmem>>
        %dma_wait3A_208 = tpu.memref_squeeze %dma_wait3A_207 : memref<1x128x128xf32, #tpu.memory_space<vmem>> -> memref<128x128xf32, #tpu.memory_space<vmem>>
        %dma_wait3A_209 = arith.constant 0 : i32
        %dma_wait3A_210 = tpu.memref_slice %arg10[%add3A_169, %dma_wait3A_209] : memref<40x128xi32, #tpu.memory_space<vmem>> -> memref<1x128xi32, #tpu.memory_space<vmem>>
        %dma_wait3A_211 = tpu.memref_squeeze %dma_wait3A_210 : memref<1x128xi32, #tpu.memory_space<vmem>> -> memref<128xi32, #tpu.memory_space<vmem>>
        %dma_wait3A_212 = arith.constant 0 : i32
        %dma_wait3A_213 = arith.constant 0 : i32
        %dma_wait3A_214 = tpu.memref_slice %arg8[%dma_wait3A_212, %dma_wait3A_213] : memref<10240x128xf32, #tpu.memory_space<vmem_shared>> -> memref<10240x128xf32, #tpu.memory_space<vmem_shared>>
        tpu.wait_indirect_dma semaphore(%run_scoped3A_194 : memref<!tpu.dma_semaphore, #tpu.memory_space<semaphore_mem>>) src(%dma_wait3A_208 : memref<128x128xf32, #tpu.memory_space<vmem>>) dst(%dma_wait3A_214 : memref<10240x128xf32, #tpu.memory_space<vmem_shared>>)
        tpu.yield
      }) : () -> ()
      %add3A_187 = arith.constant 2 : i32
      %add3A_188 = arith.addi %add3A_169, %add3A_187 : i32
      %lt3A_189 = arith.constant 40 : i32
      %lt3A_190 = arith.cmpi slt, %add3A_188, %lt3A_189 : i32
      %convert_element_type3A_191 = arith.extui %lt3A_190 : i1 to i32
      %cond3A_192 = arith.constant 0 : i32
      %cond3A_193 = arith.cmpi ne, %convert_element_type3A_191, %cond3A_192 : i32
      scf.if %cond3A_193 {
        %dma_start3A_194 = arith.constant 1 : i32
        %dma_start3A_195 = arith.constant 0 : i32
        %dma_start3A_196 = arith.constant 0 : i32
        %dma_start3A_197 = tpu.memref_slice %arg11[%dma_start3A_194, %dma_start3A_195, %dma_start3A_196] : memref<2x128x128xf32, #tpu.memory_space<vmem>> -> memref<1x128x128xf32, #tpu.memory_space<vmem>>
        %dma_start3A_198 = tpu.memref_squeeze %dma_start3A_197 : memref<1x128x128xf32, #tpu.memory_space<vmem>> -> memref<128x128xf32, #tpu.memory_space<vmem>>
        %dma_start3A_199 = arith.constant 0 : i32
        %dma_start3A_200 = tpu.memref_slice %arg9[%add3A_188, %dma_start3A_199] : memref<40x128xi32, #tpu.memory_space<vmem>> -> memref<1x128xi32, #tpu.memory_space<vmem>>
        %dma_start3A_201 = tpu.memref_squeeze %dma_start3A_200 : memref<1x128xi32, #tpu.memory_space<vmem>> -> memref<128xi32, #tpu.memory_space<vmem>>
        %dma_start3A_202 = arith.constant 0 : i32
        %dma_start3A_203 = arith.constant 0 : i32
        %dma_start3A_204 = tpu.memref_slice %arg2[%dma_start3A_202, %dma_start3A_203] : memref<10000x128xf32, #tpu.memory_space<hbm>> -> memref<10000x128xf32, #tpu.memory_space<hbm>>
        tpu.enqueue_indirect_dma source(%dma_start3A_204 : memref<10000x128xf32, #tpu.memory_space<hbm>>) target(%dma_start3A_198 : memref<128x128xf32, #tpu.memory_space<vmem>>) offsets(%dma_start3A_201 : memref<128xi32, #tpu.memory_space<vmem>>) semaphore(%arg13 : memref<!tpu.dma_semaphore, #tpu.memory_space<semaphore_mem>>)
      } else {
      }
    }
    %scan3A_132 = arith.constant 20 : i32
    %scan3A_133 = arith.constant 0 : i32
    %scan3A_134 = arith.constant 0 : i32
    %scan3A_135 = arith.constant 40 : i32
    %scan3A_136 = arith.addi %scan3A_134, %scan3A_135 : i32
    %scan3A_137 = arith.constant 1 : i32
    scf.for %scan3A_140 = %scan3A_134 to %scan3A_136 step %scan3A_137  : i32 {
      %dma_wait3A_141 = arith.constant 0 : i32
      %dma_wait3A_142 = arith.constant 0 : i32
      %dma_wait3A_143 = tpu.memref_slice %arg10[%dma_wait3A_141, %dma_wait3A_142] : memref<40x128xi32, #tpu.memory_space<vmem>> -> memref<1x128xi32, #tpu.memory_space<vmem>>
      %dma_wait3A_144 = tpu.memref_squeeze %dma_wait3A_143 : memref<1x128xi32, #tpu.memory_space<vmem>> -> memref<128xi32, #tpu.memory_space<vmem>>
      %dma_wait3A_145 = arith.constant 0 : i32
      %dma_wait3A_146 = tpu.memref_slice %arg16[%dma_wait3A_145] : memref<10240xf32, #tpu.memory_space<vmem_shared>> -> memref<10240xf32, #tpu.memory_space<vmem_shared>>
      tpu.wait_indirect_dma semaphore(%arg18 : memref<!tpu.dma_semaphore, #tpu.memory_space<semaphore_mem>>) src(%arg17 : memref<128xf32, #tpu.memory_space<vmem>>) dst(%dma_wait3A_146 : memref<10240xf32, #tpu.memory_space<vmem_shared>>)
    }
    %scan3A_138 = arith.constant 40 : i32
    %barrier3A_139 = arith.constant 0 : index
    tpu.barrier barrier_id(%barrier3A_139)
    "tpu.region"() ({
      %run_scoped3A_140 = tpu.sem_alloc : memref<!tpu.dma_semaphore, #tpu.memory_space<semaphore_mem>>
      %dma_start3A_141 = arith.constant 0 : i32
      %dma_start3A_142 = tpu.memref_slice %arg6[%arg0, %mul3A_0, %dma_start3A_141] : memref<2x10240x128xf32, #tpu.memory_space<hbm>> -> memref<1x640x128xf32, #tpu.memory_space<hbm>>
      %dma_start3A_143 = tpu.memref_squeeze %dma_start3A_142 : memref<1x640x128xf32, #tpu.memory_space<hbm>> -> memref<640x128xf32, #tpu.memory_space<hbm>>
      %dma_start3A_144 = arith.constant 0 : i32
      %dma_start3A_145 = tpu.memref_slice %arg8[%mul3A_0, %dma_start3A_144] : memref<10240x128xf32, #tpu.memory_space<vmem_shared>> -> memref<640x128xf32, #tpu.memory_space<vmem_shared>>
      tpu.enqueue_dma source(%dma_start3A_145 : memref<640x128xf32, #tpu.memory_space<vmem_shared>>) target(%dma_start3A_143 : memref<640x128xf32, #tpu.memory_space<hbm>>) target_semaphore(%run_scoped3A_140 : memref<!tpu.dma_semaphore, #tpu.memory_space<semaphore_mem>>)
      %dma_wait3A_146 = arith.constant 0 : i32
      %dma_wait3A_147 = tpu.memref_slice %arg6[%arg0, %mul3A_0, %dma_wait3A_146] : memref<2x10240x128xf32, #tpu.memory_space<hbm>> -> memref<1x640x128xf32, #tpu.memory_space<hbm>>
      %dma_wait3A_148 = tpu.memref_squeeze %dma_wait3A_147 : memref<1x640x128xf32, #tpu.memory_space<hbm>> -> memref<640x128xf32, #tpu.memory_space<hbm>>
      %dma_wait3A_149 = arith.constant 0 : i32
      %dma_wait3A_150 = tpu.memref_slice %arg8[%mul3A_0, %dma_wait3A_149] : memref<10240x128xf32, #tpu.memory_space<vmem_shared>> -> memref<640x128xf32, #tpu.memory_space<vmem_shared>>
      tpu.wait_dma2 semaphore(%run_scoped3A_140 : memref<!tpu.dma_semaphore, #tpu.memory_space<semaphore_mem>>) src(%dma_wait3A_150 : memref<640x128xf32, #tpu.memory_space<vmem_shared>>) dst(%dma_wait3A_148 : memref<640x128xf32, #tpu.memory_space<hbm>>)
      tpu.yield
    }) : () -> ()
    "tpu.region"() ({
      %run_scoped3A_140 = tpu.sem_alloc : memref<!tpu.dma_semaphore, #tpu.memory_space<semaphore_mem>>
      %dma_start3A_141 = tpu.memref_slice %arg7[%arg0, %mul3A_0] : memref<2x10240xf32, #tpu.memory_space<hbm>> -> memref<1x640xf32, #tpu.memory_space<hbm>>
      %dma_start3A_142 = tpu.memref_squeeze %dma_start3A_141 : memref<1x640xf32, #tpu.memory_space<hbm>> -> memref<640xf32, #tpu.memory_space<hbm>>
      %dma_start3A_143 = tpu.memref_slice %arg16[%mul3A_0] : memref<10240xf32, #tpu.memory_space<vmem_shared>> -> memref<640xf32, #tpu.memory_space<vmem_shared>>
      tpu.enqueue_dma source(%dma_start3A_143 : memref<640xf32, #tpu.memory_space<vmem_shared>>) target(%dma_start3A_142 : memref<640xf32, #tpu.memory_space<hbm>>) target_semaphore(%run_scoped3A_140 : memref<!tpu.dma_semaphore, #tpu.memory_space<semaphore_mem>>)
      %dma_wait3A_144 = tpu.memref_slice %arg7[%arg0, %mul3A_0] : memref<2x10240xf32, #tpu.memory_space<hbm>> -> memref<1x640xf32, #tpu.memory_space<hbm>>
      %dma_wait3A_145 = tpu.memref_squeeze %dma_wait3A_144 : memref<1x640xf32, #tpu.memory_space<hbm>> -> memref<640xf32, #tpu.memory_space<hbm>>
      %dma_wait3A_146 = tpu.memref_slice %arg16[%mul3A_0] : memref<10240xf32, #tpu.memory_space<vmem_shared>> -> memref<640xf32, #tpu.memory_space<vmem_shared>>
      tpu.wait_dma2 semaphore(%run_scoped3A_140 : memref<!tpu.dma_semaphore, #tpu.memory_space<semaphore_mem>>) src(%dma_wait3A_146 : memref<640xf32, #tpu.memory_space<vmem_shared>>) dst(%dma_wait3A_145 : memref<640xf32, #tpu.memory_space<hbm>>)
      tpu.yield
    }) : () -> ()
    return
  }
}

#map = affine_map<(d0, d1) -> (0, 0)>
#map1 = affine_map<(d0, d1) -> (0, 0, 0)>
module attributes {stable_mosaic.version = 14 : i64} {
  func.func @body(%arg0: i32, %arg1: i32, %arg2: memref<10000x128xf32, #tpu.memory_space<hbm>>, %arg3: memref<2x2560x128xi32, #tpu.memory_space<hbm>>, %arg4: memref<10240x128xf32, #tpu.memory_space<hbm>>, %arg5: memref<2x10240x128xf32, #tpu.memory_space<hbm>>, %arg6: memref<10240x128xf32, #tpu.memory_space<vmem_shared>>, %arg7: memref<40x128xi32, #tpu.memory_space<vmem>>, %arg8: memref<40x128xi32, #tpu.memory_space<vmem>>, %arg9: memref<2x128x128xf32, #tpu.memory_space<vmem>>, %arg10: memref<!tpu.dma_semaphore, #tpu.memory_space<semaphore_mem>>, %arg11: memref<!tpu.dma_semaphore, #tpu.memory_space<semaphore_mem>>, %arg12: memref<!tpu.dma_semaphore, #tpu.memory_space<semaphore_mem>>, %arg13: memref<!tpu.dma_semaphore, #tpu.memory_space<semaphore_mem>>) attributes {dimension_semantics = [#tpu.dimension_semantics<core_parallel>, #tpu.dimension_semantics<subcore_parallel>], iteration_bounds = array<i64: 2, 16>, scalar_prefetch = 0 : i64, scratch_operands = 8 : i64, tpu.core_type = #tpu.core_type<sc_vector_subcore>, window_params = [{transform_indices = #map}, {transform_indices = #map1}, {transform_indices = #map}, {transform_indices = #map1}]} {
    %mul3A = arith.constant 640 : i32
    %mul3A_0 = arith.muli %arg1, %mul3A : i32
    %dma_start3A = arith.constant 0 : i32
    %dma_start3A_1 = tpu.memref_slice %arg6[%mul3A_0, %dma_start3A] : memref<10240x128xf32, #tpu.memory_space<vmem_shared>> -> memref<640x128xf32, #tpu.memory_space<vmem_shared>>
    %dma_start3A_2 = arith.constant 0 : i32
    %dma_start3A_3 = tpu.memref_slice %arg4[%mul3A_0, %dma_start3A_2] : memref<10240x128xf32, #tpu.memory_space<hbm>> -> memref<640x128xf32, #tpu.memory_space<hbm>>
    tpu.enqueue_dma source(%dma_start3A_3 : memref<640x128xf32, #tpu.memory_space<hbm>>) target(%dma_start3A_1 : memref<640x128xf32, #tpu.memory_space<vmem_shared>>) target_semaphore(%arg12 : memref<!tpu.dma_semaphore, #tpu.memory_space<semaphore_mem>>)
    %mul3A_4 = arith.constant 16 : i32
    %mul3A_5 = arith.muli %arg0, %mul3A_4 : i32
    %add3A = arith.addi %mul3A_5, %arg1 : i32
    %mul3A_6 = arith.constant 80 : i32
    %mul3A_7 = arith.muli %add3A, %mul3A_6 : i32
    %add3A_8 = arith.constant 0 : i32
    %add3A_9 = arith.addi %mul3A_7, %add3A_8 : i32
    %run_scoped3A = arith.constant 0 : i32
    "tpu.region"() ({
      %run_scoped3A_78 = tpu.sem_alloc : memref<!tpu.dma_semaphore, #tpu.memory_space<semaphore_mem>>
      %dma_start3A_79 = arith.constant 0 : i32
      %dma_start3A_80 = tpu.memref_slice %arg3[%run_scoped3A, %add3A_9, %dma_start3A_79] : memref<2x2560x128xi32, #tpu.memory_space<hbm>> -> memref<1x40x128xi32, #tpu.memory_space<hbm>>
      %dma_start3A_81 = tpu.memref_squeeze %dma_start3A_80 : memref<1x40x128xi32, #tpu.memory_space<hbm>> -> memref<40x128xi32, #tpu.memory_space<hbm>>
      %dma_start3A_82 = arith.constant 0 : i32
      %dma_start3A_83 = tpu.memref_slice %arg3[%run_scoped3A, %add3A_9, %dma_start3A_82] : memref<2x2560x128xi32, #tpu.memory_space<hbm>> -> memref<1x40x128xi32, #tpu.memory_space<hbm>>
      %dma_start3A_84 = tpu.memref_squeeze %dma_start3A_83 : memref<1x40x128xi32, #tpu.memory_space<hbm>> -> memref<40x128xi32, #tpu.memory_space<hbm>>
      tpu.enqueue_dma source(%dma_start3A_84 : memref<40x128xi32, #tpu.memory_space<hbm>>) target(%arg7 : memref<40x128xi32, #tpu.memory_space<vmem>>) target_semaphore(%run_scoped3A_78 : memref<!tpu.dma_semaphore, #tpu.memory_space<semaphore_mem>>)
      %dma_wait3A_85 = arith.constant 0 : i32
      %dma_wait3A_86 = tpu.memref_slice %arg3[%run_scoped3A, %add3A_9, %dma_wait3A_85] : memref<2x2560x128xi32, #tpu.memory_space<hbm>> -> memref<1x40x128xi32, #tpu.memory_space<hbm>>
      %dma_wait3A_87 = tpu.memref_squeeze %dma_wait3A_86 : memref<1x40x128xi32, #tpu.memory_space<hbm>> -> memref<40x128xi32, #tpu.memory_space<hbm>>
      %dma_wait3A_88 = arith.constant 0 : i32
      %dma_wait3A_89 = tpu.memref_slice %arg3[%run_scoped3A, %add3A_9, %dma_wait3A_88] : memref<2x2560x128xi32, #tpu.memory_space<hbm>> -> memref<1x40x128xi32, #tpu.memory_space<hbm>>
      %dma_wait3A_90 = tpu.memref_squeeze %dma_wait3A_89 : memref<1x40x128xi32, #tpu.memory_space<hbm>> -> memref<40x128xi32, #tpu.memory_space<hbm>>
      tpu.wait_dma2 semaphore(%run_scoped3A_78 : memref<!tpu.dma_semaphore, #tpu.memory_space<semaphore_mem>>) src(%dma_wait3A_90 : memref<40x128xi32, #tpu.memory_space<hbm>>) dst(%arg7 : memref<40x128xi32, #tpu.memory_space<vmem>>)
      tpu.yield
    }) : () -> ()
    %run_scoped3A_10 = arith.constant 1 : i32
    "tpu.region"() ({
      %run_scoped3A_78 = tpu.sem_alloc : memref<!tpu.dma_semaphore, #tpu.memory_space<semaphore_mem>>
      %dma_start3A_79 = arith.constant 0 : i32
      %dma_start3A_80 = tpu.memref_slice %arg3[%run_scoped3A_10, %add3A_9, %dma_start3A_79] : memref<2x2560x128xi32, #tpu.memory_space<hbm>> -> memref<1x40x128xi32, #tpu.memory_space<hbm>>
      %dma_start3A_81 = tpu.memref_squeeze %dma_start3A_80 : memref<1x40x128xi32, #tpu.memory_space<hbm>> -> memref<40x128xi32, #tpu.memory_space<hbm>>
      %dma_start3A_82 = arith.constant 0 : i32
      %dma_start3A_83 = tpu.memref_slice %arg3[%run_scoped3A_10, %add3A_9, %dma_start3A_82] : memref<2x2560x128xi32, #tpu.memory_space<hbm>> -> memref<1x40x128xi32, #tpu.memory_space<hbm>>
      %dma_start3A_84 = tpu.memref_squeeze %dma_start3A_83 : memref<1x40x128xi32, #tpu.memory_space<hbm>> -> memref<40x128xi32, #tpu.memory_space<hbm>>
      tpu.enqueue_dma source(%dma_start3A_84 : memref<40x128xi32, #tpu.memory_space<hbm>>) target(%arg8 : memref<40x128xi32, #tpu.memory_space<vmem>>) target_semaphore(%run_scoped3A_78 : memref<!tpu.dma_semaphore, #tpu.memory_space<semaphore_mem>>)
      %dma_wait3A_85 = arith.constant 0 : i32
      %dma_wait3A_86 = tpu.memref_slice %arg3[%run_scoped3A_10, %add3A_9, %dma_wait3A_85] : memref<2x2560x128xi32, #tpu.memory_space<hbm>> -> memref<1x40x128xi32, #tpu.memory_space<hbm>>
      %dma_wait3A_87 = tpu.memref_squeeze %dma_wait3A_86 : memref<1x40x128xi32, #tpu.memory_space<hbm>> -> memref<40x128xi32, #tpu.memory_space<hbm>>
      %dma_wait3A_88 = arith.constant 0 : i32
      %dma_wait3A_89 = tpu.memref_slice %arg3[%run_scoped3A_10, %add3A_9, %dma_wait3A_88] : memref<2x2560x128xi32, #tpu.memory_space<hbm>> -> memref<1x40x128xi32, #tpu.memory_space<hbm>>
      %dma_wait3A_90 = tpu.memref_squeeze %dma_wait3A_89 : memref<1x40x128xi32, #tpu.memory_space<hbm>> -> memref<40x128xi32, #tpu.memory_space<hbm>>
      tpu.wait_dma2 semaphore(%run_scoped3A_78 : memref<!tpu.dma_semaphore, #tpu.memory_space<semaphore_mem>>) src(%dma_wait3A_90 : memref<40x128xi32, #tpu.memory_space<hbm>>) dst(%arg8 : memref<40x128xi32, #tpu.memory_space<vmem>>)
      tpu.yield
    }) : () -> ()
    %dma_start3A_11 = arith.constant 0 : i32
    %dma_start3A_12 = arith.constant 0 : i32
    %dma_start3A_13 = arith.constant 0 : i32
    %dma_start3A_14 = arith.constant 0 : i32
    %dma_start3A_15 = tpu.memref_slice %arg9[%dma_start3A_12, %dma_start3A_13, %dma_start3A_14] : memref<2x128x128xf32, #tpu.memory_space<vmem>> -> memref<1x128x128xf32, #tpu.memory_space<vmem>>
    %dma_start3A_16 = tpu.memref_squeeze %dma_start3A_15 : memref<1x128x128xf32, #tpu.memory_space<vmem>> -> memref<128x128xf32, #tpu.memory_space<vmem>>
    %dma_start3A_17 = arith.constant 0 : i32
    %dma_start3A_18 = tpu.memref_slice %arg7[%dma_start3A_11, %dma_start3A_17] : memref<40x128xi32, #tpu.memory_space<vmem>> -> memref<1x128xi32, #tpu.memory_space<vmem>>
    %dma_start3A_19 = tpu.memref_squeeze %dma_start3A_18 : memref<1x128xi32, #tpu.memory_space<vmem>> -> memref<128xi32, #tpu.memory_space<vmem>>
    %dma_start3A_20 = arith.constant 0 : i32
    %dma_start3A_21 = arith.constant 0 : i32
    %dma_start3A_22 = tpu.memref_slice %arg2[%dma_start3A_20, %dma_start3A_21] : memref<10000x128xf32, #tpu.memory_space<hbm>> -> memref<10000x128xf32, #tpu.memory_space<hbm>>
    tpu.enqueue_indirect_dma source(%dma_start3A_22 : memref<10000x128xf32, #tpu.memory_space<hbm>>) target(%dma_start3A_16 : memref<128x128xf32, #tpu.memory_space<vmem>>) offsets(%dma_start3A_19 : memref<128xi32, #tpu.memory_space<vmem>>) semaphore(%arg10 : memref<!tpu.dma_semaphore, #tpu.memory_space<semaphore_mem>>)
    %dma_start3A_23 = arith.constant 1 : i32
    %dma_start3A_24 = arith.constant 1 : i32
    %dma_start3A_25 = arith.constant 0 : i32
    %dma_start3A_26 = arith.constant 0 : i32
    %dma_start3A_27 = tpu.memref_slice %arg9[%dma_start3A_24, %dma_start3A_25, %dma_start3A_26] : memref<2x128x128xf32, #tpu.memory_space<vmem>> -> memref<1x128x128xf32, #tpu.memory_space<vmem>>
    %dma_start3A_28 = tpu.memref_squeeze %dma_start3A_27 : memref<1x128x128xf32, #tpu.memory_space<vmem>> -> memref<128x128xf32, #tpu.memory_space<vmem>>
    %dma_start3A_29 = arith.constant 0 : i32
    %dma_start3A_30 = tpu.memref_slice %arg7[%dma_start3A_23, %dma_start3A_29] : memref<40x128xi32, #tpu.memory_space<vmem>> -> memref<1x128xi32, #tpu.memory_space<vmem>>
    %dma_start3A_31 = tpu.memref_squeeze %dma_start3A_30 : memref<1x128xi32, #tpu.memory_space<vmem>> -> memref<128xi32, #tpu.memory_space<vmem>>
    %dma_start3A_32 = arith.constant 0 : i32
    %dma_start3A_33 = arith.constant 0 : i32
    %dma_start3A_34 = tpu.memref_slice %arg2[%dma_start3A_32, %dma_start3A_33] : memref<10000x128xf32, #tpu.memory_space<hbm>> -> memref<10000x128xf32, #tpu.memory_space<hbm>>
    tpu.enqueue_indirect_dma source(%dma_start3A_34 : memref<10000x128xf32, #tpu.memory_space<hbm>>) target(%dma_start3A_28 : memref<128x128xf32, #tpu.memory_space<vmem>>) offsets(%dma_start3A_31 : memref<128xi32, #tpu.memory_space<vmem>>) semaphore(%arg11 : memref<!tpu.dma_semaphore, #tpu.memory_space<semaphore_mem>>)
    %dma_wait3A = arith.constant 0 : i32
    %dma_wait3A_35 = tpu.memref_slice %arg6[%mul3A_0, %dma_wait3A] : memref<10240x128xf32, #tpu.memory_space<vmem_shared>> -> memref<640x128xf32, #tpu.memory_space<vmem_shared>>
    %dma_wait3A_36 = arith.constant 0 : i32
    %dma_wait3A_37 = tpu.memref_slice %arg4[%mul3A_0, %dma_wait3A_36] : memref<10240x128xf32, #tpu.memory_space<hbm>> -> memref<640x128xf32, #tpu.memory_space<hbm>>
    tpu.wait_dma2 semaphore(%arg12 : memref<!tpu.dma_semaphore, #tpu.memory_space<semaphore_mem>>) src(%dma_wait3A_37 : memref<640x128xf32, #tpu.memory_space<hbm>>) dst(%dma_wait3A_35 : memref<640x128xf32, #tpu.memory_space<vmem_shared>>)
    %barrier3A = arith.constant 0 : index
    tpu.barrier barrier_id(%barrier3A)
    %scan3A = arith.constant 0 : i32
    %scan3A_38 = arith.constant 0 : i32
    %scan3A_39 = arith.constant 20 : i32
    %scan3A_40 = arith.addi %scan3A_38, %scan3A_39 : i32
    %scan3A_41 = arith.constant 1 : i32
    scf.for %scan3A_78 = %scan3A_38 to %scan3A_40 step %scan3A_41  : i32 {
      %mul3A_79 = arith.constant 2 : i32
      %mul3A_80 = arith.muli %scan3A_78, %mul3A_79 : i32
      %add3A_81 = arith.constant 0 : i32
      %add3A_82 = arith.addi %mul3A_80, %add3A_81 : i32
      %dma_wait3A_83 = arith.constant 0 : i32
      %dma_wait3A_84 = arith.constant 0 : i32
      %dma_wait3A_85 = arith.constant 0 : i32
      %dma_wait3A_86 = tpu.memref_slice %arg9[%dma_wait3A_83, %dma_wait3A_84, %dma_wait3A_85] : memref<2x128x128xf32, #tpu.memory_space<vmem>> -> memref<1x128x128xf32, #tpu.memory_space<vmem>>
      %dma_wait3A_87 = tpu.memref_squeeze %dma_wait3A_86 : memref<1x128x128xf32, #tpu.memory_space<vmem>> -> memref<128x128xf32, #tpu.memory_space<vmem>>
      %dma_wait3A_88 = arith.constant 0 : i32
      %dma_wait3A_89 = tpu.memref_slice %arg7[%add3A_82, %dma_wait3A_88] : memref<40x128xi32, #tpu.memory_space<vmem>> -> memref<1x128xi32, #tpu.memory_space<vmem>>
      %dma_wait3A_90 = tpu.memref_squeeze %dma_wait3A_89 : memref<1x128xi32, #tpu.memory_space<vmem>> -> memref<128xi32, #tpu.memory_space<vmem>>
      %dma_wait3A_91 = arith.constant 0 : i32
      %dma_wait3A_92 = arith.constant 0 : i32
      %dma_wait3A_93 = tpu.memref_slice %arg2[%dma_wait3A_91, %dma_wait3A_92] : memref<10000x128xf32, #tpu.memory_space<hbm>> -> memref<10000x128xf32, #tpu.memory_space<hbm>>
      tpu.wait_indirect_dma semaphore(%arg10 : memref<!tpu.dma_semaphore, #tpu.memory_space<semaphore_mem>>) src(%dma_wait3A_93 : memref<10000x128xf32, #tpu.memory_space<hbm>>) dst(%dma_wait3A_87 : memref<128x128xf32, #tpu.memory_space<vmem>>)
      %run_scoped3A_94 = arith.constant 0 : i32
      "tpu.region"() ({
        %run_scoped3A_122 = tpu.sem_alloc : memref<!tpu.dma_semaphore, #tpu.memory_space<semaphore_mem>>
        %dma_start3A_123 = arith.constant 0 : i32
        %dma_start3A_124 = arith.constant 0 : i32
        %dma_start3A_125 = tpu.memref_slice %arg9[%run_scoped3A_94, %dma_start3A_123, %dma_start3A_124] : memref<2x128x128xf32, #tpu.memory_space<vmem>> -> memref<1x128x128xf32, #tpu.memory_space<vmem>>
        %dma_start3A_126 = tpu.memref_squeeze %dma_start3A_125 : memref<1x128x128xf32, #tpu.memory_space<vmem>> -> memref<128x128xf32, #tpu.memory_space<vmem>>
        %dma_start3A_127 = arith.constant 0 : i32
        %dma_start3A_128 = tpu.memref_slice %arg8[%add3A_82, %dma_start3A_127] : memref<40x128xi32, #tpu.memory_space<vmem>> -> memref<1x128xi32, #tpu.memory_space<vmem>>
        %dma_start3A_129 = tpu.memref_squeeze %dma_start3A_128 : memref<1x128xi32, #tpu.memory_space<vmem>> -> memref<128xi32, #tpu.memory_space<vmem>>
        %dma_start3A_130 = arith.constant 0 : i32
        %dma_start3A_131 = arith.constant 0 : i32
        %dma_start3A_132 = tpu.memref_slice %arg6[%dma_start3A_130, %dma_start3A_131] : memref<10240x128xf32, #tpu.memory_space<vmem_shared>> -> memref<10240x128xf32, #tpu.memory_space<vmem_shared>>
        tpu.enqueue_indirect_dma source(%dma_start3A_126 : memref<128x128xf32, #tpu.memory_space<vmem>>) target(%dma_start3A_132 : memref<10240x128xf32, #tpu.memory_space<vmem_shared>>) offsets(%dma_start3A_129 : memref<128xi32, #tpu.memory_space<vmem>>) semaphore(%run_scoped3A_122 : memref<!tpu.dma_semaphore, #tpu.memory_space<semaphore_mem>>) {add = true}
        %dma_wait3A_133 = arith.constant 0 : i32
        %dma_wait3A_134 = arith.constant 0 : i32
        %dma_wait3A_135 = tpu.memref_slice %arg9[%run_scoped3A_94, %dma_wait3A_133, %dma_wait3A_134] : memref<2x128x128xf32, #tpu.memory_space<vmem>> -> memref<1x128x128xf32, #tpu.memory_space<vmem>>
        %dma_wait3A_136 = tpu.memref_squeeze %dma_wait3A_135 : memref<1x128x128xf32, #tpu.memory_space<vmem>> -> memref<128x128xf32, #tpu.memory_space<vmem>>
        %dma_wait3A_137 = arith.constant 0 : i32
        %dma_wait3A_138 = tpu.memref_slice %arg8[%add3A_82, %dma_wait3A_137] : memref<40x128xi32, #tpu.memory_space<vmem>> -> memref<1x128xi32, #tpu.memory_space<vmem>>
        %dma_wait3A_139 = tpu.memref_squeeze %dma_wait3A_138 : memref<1x128xi32, #tpu.memory_space<vmem>> -> memref<128xi32, #tpu.memory_space<vmem>>
        %dma_wait3A_140 = arith.constant 0 : i32
        %dma_wait3A_141 = arith.constant 0 : i32
        %dma_wait3A_142 = tpu.memref_slice %arg6[%dma_wait3A_140, %dma_wait3A_141] : memref<10240x128xf32, #tpu.memory_space<vmem_shared>> -> memref<10240x128xf32, #tpu.memory_space<vmem_shared>>
        tpu.wait_indirect_dma semaphore(%run_scoped3A_122 : memref<!tpu.dma_semaphore, #tpu.memory_space<semaphore_mem>>) src(%dma_wait3A_136 : memref<128x128xf32, #tpu.memory_space<vmem>>) dst(%dma_wait3A_142 : memref<10240x128xf32, #tpu.memory_space<vmem_shared>>)
        tpu.yield
      }) : () -> ()
      %add3A_95 = arith.constant 2 : i32
      %add3A_96 = arith.addi %add3A_82, %add3A_95 : i32
      %lt3A = arith.constant 40 : i32
      %lt3A_97 = arith.cmpi slt, %add3A_96, %lt3A : i32
      %convert_element_type3A = arith.extui %lt3A_97 : i1 to i32
      %cond3A = arith.constant 0 : i32
      %cond3A_98 = arith.cmpi ne, %convert_element_type3A, %cond3A : i32
      scf.if %cond3A_98 {
        %dma_start3A_122 = arith.constant 0 : i32
        %dma_start3A_123 = arith.constant 0 : i32
        %dma_start3A_124 = arith.constant 0 : i32
        %dma_start3A_125 = tpu.memref_slice %arg9[%dma_start3A_122, %dma_start3A_123, %dma_start3A_124] : memref<2x128x128xf32, #tpu.memory_space<vmem>> -> memref<1x128x128xf32, #tpu.memory_space<vmem>>
        %dma_start3A_126 = tpu.memref_squeeze %dma_start3A_125 : memref<1x128x128xf32, #tpu.memory_space<vmem>> -> memref<128x128xf32, #tpu.memory_space<vmem>>
        %dma_start3A_127 = arith.constant 0 : i32
        %dma_start3A_128 = tpu.memref_slice %arg7[%add3A_96, %dma_start3A_127] : memref<40x128xi32, #tpu.memory_space<vmem>> -> memref<1x128xi32, #tpu.memory_space<vmem>>
        %dma_start3A_129 = tpu.memref_squeeze %dma_start3A_128 : memref<1x128xi32, #tpu.memory_space<vmem>> -> memref<128xi32, #tpu.memory_space<vmem>>
        %dma_start3A_130 = arith.constant 0 : i32
        %dma_start3A_131 = arith.constant 0 : i32
        %dma_start3A_132 = tpu.memref_slice %arg2[%dma_start3A_130, %dma_start3A_131] : memref<10000x128xf32, #tpu.memory_space<hbm>> -> memref<10000x128xf32, #tpu.memory_space<hbm>>
        tpu.enqueue_indirect_dma source(%dma_start3A_132 : memref<10000x128xf32, #tpu.memory_space<hbm>>) target(%dma_start3A_126 : memref<128x128xf32, #tpu.memory_space<vmem>>) offsets(%dma_start3A_129 : memref<128xi32, #tpu.memory_space<vmem>>) semaphore(%arg10 : memref<!tpu.dma_semaphore, #tpu.memory_space<semaphore_mem>>)
      } else {
      }
      %mul3A_99 = arith.constant 2 : i32
      %mul3A_100 = arith.muli %scan3A_78, %mul3A_99 : i32
      %add3A_101 = arith.constant 1 : i32
      %add3A_102 = arith.addi %mul3A_100, %add3A_101 : i32
      %dma_wait3A_103 = arith.constant 1 : i32
      %dma_wait3A_104 = arith.constant 0 : i32
      %dma_wait3A_105 = arith.constant 0 : i32
      %dma_wait3A_106 = tpu.memref_slice %arg9[%dma_wait3A_103, %dma_wait3A_104, %dma_wait3A_105] : memref<2x128x128xf32, #tpu.memory_space<vmem>> -> memref<1x128x128xf32, #tpu.memory_space<vmem>>
      %dma_wait3A_107 = tpu.memref_squeeze %dma_wait3A_106 : memref<1x128x128xf32, #tpu.memory_space<vmem>> -> memref<128x128xf32, #tpu.memory_space<vmem>>
      %dma_wait3A_108 = arith.constant 0 : i32
      %dma_wait3A_109 = tpu.memref_slice %arg7[%add3A_102, %dma_wait3A_108] : memref<40x128xi32, #tpu.memory_space<vmem>> -> memref<1x128xi32, #tpu.memory_space<vmem>>
      %dma_wait3A_110 = tpu.memref_squeeze %dma_wait3A_109 : memref<1x128xi32, #tpu.memory_space<vmem>> -> memref<128xi32, #tpu.memory_space<vmem>>
      %dma_wait3A_111 = arith.constant 0 : i32
      %dma_wait3A_112 = arith.constant 0 : i32
      %dma_wait3A_113 = tpu.memref_slice %arg2[%dma_wait3A_111, %dma_wait3A_112] : memref<10000x128xf32, #tpu.memory_space<hbm>> -> memref<10000x128xf32, #tpu.memory_space<hbm>>
      tpu.wait_indirect_dma semaphore(%arg11 : memref<!tpu.dma_semaphore, #tpu.memory_space<semaphore_mem>>) src(%dma_wait3A_113 : memref<10000x128xf32, #tpu.memory_space<hbm>>) dst(%dma_wait3A_107 : memref<128x128xf32, #tpu.memory_space<vmem>>)
      %run_scoped3A_114 = arith.constant 1 : i32
      "tpu.region"() ({
        %run_scoped3A_122 = tpu.sem_alloc : memref<!tpu.dma_semaphore, #tpu.memory_space<semaphore_mem>>
        %dma_start3A_123 = arith.constant 0 : i32
        %dma_start3A_124 = arith.constant 0 : i32
        %dma_start3A_125 = tpu.memref_slice %arg9[%run_scoped3A_114, %dma_start3A_123, %dma_start3A_124] : memref<2x128x128xf32, #tpu.memory_space<vmem>> -> memref<1x128x128xf32, #tpu.memory_space<vmem>>
        %dma_start3A_126 = tpu.memref_squeeze %dma_start3A_125 : memref<1x128x128xf32, #tpu.memory_space<vmem>> -> memref<128x128xf32, #tpu.memory_space<vmem>>
        %dma_start3A_127 = arith.constant 0 : i32
        %dma_start3A_128 = tpu.memref_slice %arg8[%add3A_102, %dma_start3A_127] : memref<40x128xi32, #tpu.memory_space<vmem>> -> memref<1x128xi32, #tpu.memory_space<vmem>>
        %dma_start3A_129 = tpu.memref_squeeze %dma_start3A_128 : memref<1x128xi32, #tpu.memory_space<vmem>> -> memref<128xi32, #tpu.memory_space<vmem>>
        %dma_start3A_130 = arith.constant 0 : i32
        %dma_start3A_131 = arith.constant 0 : i32
        %dma_start3A_132 = tpu.memref_slice %arg6[%dma_start3A_130, %dma_start3A_131] : memref<10240x128xf32, #tpu.memory_space<vmem_shared>> -> memref<10240x128xf32, #tpu.memory_space<vmem_shared>>
        tpu.enqueue_indirect_dma source(%dma_start3A_126 : memref<128x128xf32, #tpu.memory_space<vmem>>) target(%dma_start3A_132 : memref<10240x128xf32, #tpu.memory_space<vmem_shared>>) offsets(%dma_start3A_129 : memref<128xi32, #tpu.memory_space<vmem>>) semaphore(%run_scoped3A_122 : memref<!tpu.dma_semaphore, #tpu.memory_space<semaphore_mem>>) {add = true}
        %dma_wait3A_133 = arith.constant 0 : i32
        %dma_wait3A_134 = arith.constant 0 : i32
        %dma_wait3A_135 = tpu.memref_slice %arg9[%run_scoped3A_114, %dma_wait3A_133, %dma_wait3A_134] : memref<2x128x128xf32, #tpu.memory_space<vmem>> -> memref<1x128x128xf32, #tpu.memory_space<vmem>>
        %dma_wait3A_136 = tpu.memref_squeeze %dma_wait3A_135 : memref<1x128x128xf32, #tpu.memory_space<vmem>> -> memref<128x128xf32, #tpu.memory_space<vmem>>
        %dma_wait3A_137 = arith.constant 0 : i32
        %dma_wait3A_138 = tpu.memref_slice %arg8[%add3A_102, %dma_wait3A_137] : memref<40x128xi32, #tpu.memory_space<vmem>> -> memref<1x128xi32, #tpu.memory_space<vmem>>
        %dma_wait3A_139 = tpu.memref_squeeze %dma_wait3A_138 : memref<1x128xi32, #tpu.memory_space<vmem>> -> memref<128xi32, #tpu.memory_space<vmem>>
        %dma_wait3A_140 = arith.constant 0 : i32
        %dma_wait3A_141 = arith.constant 0 : i32
        %dma_wait3A_142 = tpu.memref_slice %arg6[%dma_wait3A_140, %dma_wait3A_141] : memref<10240x128xf32, #tpu.memory_space<vmem_shared>> -> memref<10240x128xf32, #tpu.memory_space<vmem_shared>>
        tpu.wait_indirect_dma semaphore(%run_scoped3A_122 : memref<!tpu.dma_semaphore, #tpu.memory_space<semaphore_mem>>) src(%dma_wait3A_136 : memref<128x128xf32, #tpu.memory_space<vmem>>) dst(%dma_wait3A_142 : memref<10240x128xf32, #tpu.memory_space<vmem_shared>>)
        tpu.yield
      }) : () -> ()
      %add3A_115 = arith.constant 2 : i32
      %add3A_116 = arith.addi %add3A_102, %add3A_115 : i32
      %lt3A_117 = arith.constant 40 : i32
      %lt3A_118 = arith.cmpi slt, %add3A_116, %lt3A_117 : i32
      %convert_element_type3A_119 = arith.extui %lt3A_118 : i1 to i32
      %cond3A_120 = arith.constant 0 : i32
      %cond3A_121 = arith.cmpi ne, %convert_element_type3A_119, %cond3A_120 : i32
      scf.if %cond3A_121 {
        %dma_start3A_122 = arith.constant 1 : i32
        %dma_start3A_123 = arith.constant 0 : i32
        %dma_start3A_124 = arith.constant 0 : i32
        %dma_start3A_125 = tpu.memref_slice %arg9[%dma_start3A_122, %dma_start3A_123, %dma_start3A_124] : memref<2x128x128xf32, #tpu.memory_space<vmem>> -> memref<1x128x128xf32, #tpu.memory_space<vmem>>
        %dma_start3A_126 = tpu.memref_squeeze %dma_start3A_125 : memref<1x128x128xf32, #tpu.memory_space<vmem>> -> memref<128x128xf32, #tpu.memory_space<vmem>>
        %dma_start3A_127 = arith.constant 0 : i32
        %dma_start3A_128 = tpu.memref_slice %arg7[%add3A_116, %dma_start3A_127] : memref<40x128xi32, #tpu.memory_space<vmem>> -> memref<1x128xi32, #tpu.memory_space<vmem>>
        %dma_start3A_129 = tpu.memref_squeeze %dma_start3A_128 : memref<1x128xi32, #tpu.memory_space<vmem>> -> memref<128xi32, #tpu.memory_space<vmem>>
        %dma_start3A_130 = arith.constant 0 : i32
        %dma_start3A_131 = arith.constant 0 : i32
        %dma_start3A_132 = tpu.memref_slice %arg2[%dma_start3A_130, %dma_start3A_131] : memref<10000x128xf32, #tpu.memory_space<hbm>> -> memref<10000x128xf32, #tpu.memory_space<hbm>>
        tpu.enqueue_indirect_dma source(%dma_start3A_132 : memref<10000x128xf32, #tpu.memory_space<hbm>>) target(%dma_start3A_126 : memref<128x128xf32, #tpu.memory_space<vmem>>) offsets(%dma_start3A_129 : memref<128xi32, #tpu.memory_space<vmem>>) semaphore(%arg11 : memref<!tpu.dma_semaphore, #tpu.memory_space<semaphore_mem>>)
      } else {
      }
    }
    %scan3A_42 = arith.constant 20 : i32
    %add3A_43 = arith.constant 40 : i32
    %add3A_44 = arith.addi %mul3A_7, %add3A_43 : i32
    %run_scoped3A_45 = arith.constant 0 : i32
    "tpu.region"() ({
      %run_scoped3A_78 = tpu.sem_alloc : memref<!tpu.dma_semaphore, #tpu.memory_space<semaphore_mem>>
      %dma_start3A_79 = arith.constant 0 : i32
      %dma_start3A_80 = tpu.memref_slice %arg3[%run_scoped3A_45, %add3A_44, %dma_start3A_79] : memref<2x2560x128xi32, #tpu.memory_space<hbm>> -> memref<1x40x128xi32, #tpu.memory_space<hbm>>
      %dma_start3A_81 = tpu.memref_squeeze %dma_start3A_80 : memref<1x40x128xi32, #tpu.memory_space<hbm>> -> memref<40x128xi32, #tpu.memory_space<hbm>>
      %dma_start3A_82 = arith.constant 0 : i32
      %dma_start3A_83 = tpu.memref_slice %arg3[%run_scoped3A_45, %add3A_44, %dma_start3A_82] : memref<2x2560x128xi32, #tpu.memory_space<hbm>> -> memref<1x40x128xi32, #tpu.memory_space<hbm>>
      %dma_start3A_84 = tpu.memref_squeeze %dma_start3A_83 : memref<1x40x128xi32, #tpu.memory_space<hbm>> -> memref<40x128xi32, #tpu.memory_space<hbm>>
      tpu.enqueue_dma source(%dma_start3A_84 : memref<40x128xi32, #tpu.memory_space<hbm>>) target(%arg7 : memref<40x128xi32, #tpu.memory_space<vmem>>) target_semaphore(%run_scoped3A_78 : memref<!tpu.dma_semaphore, #tpu.memory_space<semaphore_mem>>)
      %dma_wait3A_85 = arith.constant 0 : i32
      %dma_wait3A_86 = tpu.memref_slice %arg3[%run_scoped3A_45, %add3A_44, %dma_wait3A_85] : memref<2x2560x128xi32, #tpu.memory_space<hbm>> -> memref<1x40x128xi32, #tpu.memory_space<hbm>>
      %dma_wait3A_87 = tpu.memref_squeeze %dma_wait3A_86 : memref<1x40x128xi32, #tpu.memory_space<hbm>> -> memref<40x128xi32, #tpu.memory_space<hbm>>
      %dma_wait3A_88 = arith.constant 0 : i32
      %dma_wait3A_89 = tpu.memref_slice %arg3[%run_scoped3A_45, %add3A_44, %dma_wait3A_88] : memref<2x2560x128xi32, #tpu.memory_space<hbm>> -> memref<1x40x128xi32, #tpu.memory_space<hbm>>
      %dma_wait3A_90 = tpu.memref_squeeze %dma_wait3A_89 : memref<1x40x128xi32, #tpu.memory_space<hbm>> -> memref<40x128xi32, #tpu.memory_space<hbm>>
      tpu.wait_dma2 semaphore(%run_scoped3A_78 : memref<!tpu.dma_semaphore, #tpu.memory_space<semaphore_mem>>) src(%dma_wait3A_90 : memref<40x128xi32, #tpu.memory_space<hbm>>) dst(%arg7 : memref<40x128xi32, #tpu.memory_space<vmem>>)
      tpu.yield
    }) : () -> ()
    %run_scoped3A_46 = arith.constant 1 : i32
    "tpu.region"() ({
      %run_scoped3A_78 = tpu.sem_alloc : memref<!tpu.dma_semaphore, #tpu.memory_space<semaphore_mem>>
      %dma_start3A_79 = arith.constant 0 : i32
      %dma_start3A_80 = tpu.memref_slice %arg3[%run_scoped3A_46, %add3A_44, %dma_start3A_79] : memref<2x2560x128xi32, #tpu.memory_space<hbm>> -> memref<1x40x128xi32, #tpu.memory_space<hbm>>
      %dma_start3A_81 = tpu.memref_squeeze %dma_start3A_80 : memref<1x40x128xi32, #tpu.memory_space<hbm>> -> memref<40x128xi32, #tpu.memory_space<hbm>>
      %dma_start3A_82 = arith.constant 0 : i32
      %dma_start3A_83 = tpu.memref_slice %arg3[%run_scoped3A_46, %add3A_44, %dma_start3A_82] : memref<2x2560x128xi32, #tpu.memory_space<hbm>> -> memref<1x40x128xi32, #tpu.memory_space<hbm>>
      %dma_start3A_84 = tpu.memref_squeeze %dma_start3A_83 : memref<1x40x128xi32, #tpu.memory_space<hbm>> -> memref<40x128xi32, #tpu.memory_space<hbm>>
      tpu.enqueue_dma source(%dma_start3A_84 : memref<40x128xi32, #tpu.memory_space<hbm>>) target(%arg8 : memref<40x128xi32, #tpu.memory_space<vmem>>) target_semaphore(%run_scoped3A_78 : memref<!tpu.dma_semaphore, #tpu.memory_space<semaphore_mem>>)
      %dma_wait3A_85 = arith.constant 0 : i32
      %dma_wait3A_86 = tpu.memref_slice %arg3[%run_scoped3A_46, %add3A_44, %dma_wait3A_85] : memref<2x2560x128xi32, #tpu.memory_space<hbm>> -> memref<1x40x128xi32, #tpu.memory_space<hbm>>
      %dma_wait3A_87 = tpu.memref_squeeze %dma_wait3A_86 : memref<1x40x128xi32, #tpu.memory_space<hbm>> -> memref<40x128xi32, #tpu.memory_space<hbm>>
      %dma_wait3A_88 = arith.constant 0 : i32
      %dma_wait3A_89 = tpu.memref_slice %arg3[%run_scoped3A_46, %add3A_44, %dma_wait3A_88] : memref<2x2560x128xi32, #tpu.memory_space<hbm>> -> memref<1x40x128xi32, #tpu.memory_space<hbm>>
      %dma_wait3A_90 = tpu.memref_squeeze %dma_wait3A_89 : memref<1x40x128xi32, #tpu.memory_space<hbm>> -> memref<40x128xi32, #tpu.memory_space<hbm>>
      tpu.wait_dma2 semaphore(%run_scoped3A_78 : memref<!tpu.dma_semaphore, #tpu.memory_space<semaphore_mem>>) src(%dma_wait3A_90 : memref<40x128xi32, #tpu.memory_space<hbm>>) dst(%arg8 : memref<40x128xi32, #tpu.memory_space<vmem>>)
      tpu.yield
    }) : () -> ()
    %dma_start3A_47 = arith.constant 0 : i32
    %dma_start3A_48 = arith.constant 0 : i32
    %dma_start3A_49 = arith.constant 0 : i32
    %dma_start3A_50 = arith.constant 0 : i32
    %dma_start3A_51 = tpu.memref_slice %arg9[%dma_start3A_48, %dma_start3A_49, %dma_start3A_50] : memref<2x128x128xf32, #tpu.memory_space<vmem>> -> memref<1x128x128xf32, #tpu.memory_space<vmem>>
    %dma_start3A_52 = tpu.memref_squeeze %dma_start3A_51 : memref<1x128x128xf32, #tpu.memory_space<vmem>> -> memref<128x128xf32, #tpu.memory_space<vmem>>
    %dma_start3A_53 = arith.constant 0 : i32
    %dma_start3A_54 = tpu.memref_slice %arg7[%dma_start3A_47, %dma_start3A_53] : memref<40x128xi32, #tpu.memory_space<vmem>> -> memref<1x128xi32, #tpu.memory_space<vmem>>
    %dma_start3A_55 = tpu.memref_squeeze %dma_start3A_54 : memref<1x128xi32, #tpu.memory_space<vmem>> -> memref<128xi32, #tpu.memory_space<vmem>>
    %dma_start3A_56 = arith.constant 0 : i32
    %dma_start3A_57 = arith.constant 0 : i32
    %dma_start3A_58 = tpu.memref_slice %arg2[%dma_start3A_56, %dma_start3A_57] : memref<10000x128xf32, #tpu.memory_space<hbm>> -> memref<10000x128xf32, #tpu.memory_space<hbm>>
    tpu.enqueue_indirect_dma source(%dma_start3A_58 : memref<10000x128xf32, #tpu.memory_space<hbm>>) target(%dma_start3A_52 : memref<128x128xf32, #tpu.memory_space<vmem>>) offsets(%dma_start3A_55 : memref<128xi32, #tpu.memory_space<vmem>>) semaphore(%arg10 : memref<!tpu.dma_semaphore, #tpu.memory_space<semaphore_mem>>)
    %dma_start3A_59 = arith.constant 1 : i32
    %dma_start3A_60 = arith.constant 1 : i32
    %dma_start3A_61 = arith.constant 0 : i32
    %dma_start3A_62 = arith.constant 0 : i32
    %dma_start3A_63 = tpu.memref_slice %arg9[%dma_start3A_60, %dma_start3A_61, %dma_start3A_62] : memref<2x128x128xf32, #tpu.memory_space<vmem>> -> memref<1x128x128xf32, #tpu.memory_space<vmem>>
    %dma_start3A_64 = tpu.memref_squeeze %dma_start3A_63 : memref<1x128x128xf32, #tpu.memory_space<vmem>> -> memref<128x128xf32, #tpu.memory_space<vmem>>
    %dma_start3A_65 = arith.constant 0 : i32
    %dma_start3A_66 = tpu.memref_slice %arg7[%dma_start3A_59, %dma_start3A_65] : memref<40x128xi32, #tpu.memory_space<vmem>> -> memref<1x128xi32, #tpu.memory_space<vmem>>
    %dma_start3A_67 = tpu.memref_squeeze %dma_start3A_66 : memref<1x128xi32, #tpu.memory_space<vmem>> -> memref<128xi32, #tpu.memory_space<vmem>>
    %dma_start3A_68 = arith.constant 0 : i32
    %dma_start3A_69 = arith.constant 0 : i32
    %dma_start3A_70 = tpu.memref_slice %arg2[%dma_start3A_68, %dma_start3A_69] : memref<10000x128xf32, #tpu.memory_space<hbm>> -> memref<10000x128xf32, #tpu.memory_space<hbm>>
    tpu.enqueue_indirect_dma source(%dma_start3A_70 : memref<10000x128xf32, #tpu.memory_space<hbm>>) target(%dma_start3A_64 : memref<128x128xf32, #tpu.memory_space<vmem>>) offsets(%dma_start3A_67 : memref<128xi32, #tpu.memory_space<vmem>>) semaphore(%arg11 : memref<!tpu.dma_semaphore, #tpu.memory_space<semaphore_mem>>)
    %scan3A_71 = arith.constant 0 : i32
    %scan3A_72 = arith.constant 0 : i32
    %scan3A_73 = arith.constant 20 : i32
    %scan3A_74 = arith.addi %scan3A_72, %scan3A_73 : i32
    %scan3A_75 = arith.constant 1 : i32
    scf.for %scan3A_78 = %scan3A_72 to %scan3A_74 step %scan3A_75  : i32 {
      %mul3A_79 = arith.constant 2 : i32
      %mul3A_80 = arith.muli %scan3A_78, %mul3A_79 : i32
      %add3A_81 = arith.constant 0 : i32
      %add3A_82 = arith.addi %mul3A_80, %add3A_81 : i32
      %dma_wait3A_83 = arith.constant 0 : i32
      %dma_wait3A_84 = arith.constant 0 : i32
      %dma_wait3A_85 = arith.constant 0 : i32
      %dma_wait3A_86 = tpu.memref_slice %arg9[%dma_wait3A_83, %dma_wait3A_84, %dma_wait3A_85] : memref<2x128x128xf32, #tpu.memory_space<vmem>> -> memref<1x128x128xf32, #tpu.memory_space<vmem>>
      %dma_wait3A_87 = tpu.memref_squeeze %dma_wait3A_86 : memref<1x128x128xf32, #tpu.memory_space<vmem>> -> memref<128x128xf32, #tpu.memory_space<vmem>>
      %dma_wait3A_88 = arith.constant 0 : i32
      %dma_wait3A_89 = tpu.memref_slice %arg7[%add3A_82, %dma_wait3A_88] : memref<40x128xi32, #tpu.memory_space<vmem>> -> memref<1x128xi32, #tpu.memory_space<vmem>>
      %dma_wait3A_90 = tpu.memref_squeeze %dma_wait3A_89 : memref<1x128xi32, #tpu.memory_space<vmem>> -> memref<128xi32, #tpu.memory_space<vmem>>
      %dma_wait3A_91 = arith.constant 0 : i32
      %dma_wait3A_92 = arith.constant 0 : i32
      %dma_wait3A_93 = tpu.memref_slice %arg2[%dma_wait3A_91, %dma_wait3A_92] : memref<10000x128xf32, #tpu.memory_space<hbm>> -> memref<10000x128xf32, #tpu.memory_space<hbm>>
      tpu.wait_indirect_dma semaphore(%arg10 : memref<!tpu.dma_semaphore, #tpu.memory_space<semaphore_mem>>) src(%dma_wait3A_93 : memref<10000x128xf32, #tpu.memory_space<hbm>>) dst(%dma_wait3A_87 : memref<128x128xf32, #tpu.memory_space<vmem>>)
      %run_scoped3A_94 = arith.constant 0 : i32
      "tpu.region"() ({
        %run_scoped3A_122 = tpu.sem_alloc : memref<!tpu.dma_semaphore, #tpu.memory_space<semaphore_mem>>
        %dma_start3A_123 = arith.constant 0 : i32
        %dma_start3A_124 = arith.constant 0 : i32
        %dma_start3A_125 = tpu.memref_slice %arg9[%run_scoped3A_94, %dma_start3A_123, %dma_start3A_124] : memref<2x128x128xf32, #tpu.memory_space<vmem>> -> memref<1x128x128xf32, #tpu.memory_space<vmem>>
        %dma_start3A_126 = tpu.memref_squeeze %dma_start3A_125 : memref<1x128x128xf32, #tpu.memory_space<vmem>> -> memref<128x128xf32, #tpu.memory_space<vmem>>
        %dma_start3A_127 = arith.constant 0 : i32
        %dma_start3A_128 = tpu.memref_slice %arg8[%add3A_82, %dma_start3A_127] : memref<40x128xi32, #tpu.memory_space<vmem>> -> memref<1x128xi32, #tpu.memory_space<vmem>>
        %dma_start3A_129 = tpu.memref_squeeze %dma_start3A_128 : memref<1x128xi32, #tpu.memory_space<vmem>> -> memref<128xi32, #tpu.memory_space<vmem>>
        %dma_start3A_130 = arith.constant 0 : i32
        %dma_start3A_131 = arith.constant 0 : i32
        %dma_start3A_132 = tpu.memref_slice %arg6[%dma_start3A_130, %dma_start3A_131] : memref<10240x128xf32, #tpu.memory_space<vmem_shared>> -> memref<10240x128xf32, #tpu.memory_space<vmem_shared>>
        tpu.enqueue_indirect_dma source(%dma_start3A_126 : memref<128x128xf32, #tpu.memory_space<vmem>>) target(%dma_start3A_132 : memref<10240x128xf32, #tpu.memory_space<vmem_shared>>) offsets(%dma_start3A_129 : memref<128xi32, #tpu.memory_space<vmem>>) semaphore(%run_scoped3A_122 : memref<!tpu.dma_semaphore, #tpu.memory_space<semaphore_mem>>) {add = true}
        %dma_wait3A_133 = arith.constant 0 : i32
        %dma_wait3A_134 = arith.constant 0 : i32
        %dma_wait3A_135 = tpu.memref_slice %arg9[%run_scoped3A_94, %dma_wait3A_133, %dma_wait3A_134] : memref<2x128x128xf32, #tpu.memory_space<vmem>> -> memref<1x128x128xf32, #tpu.memory_space<vmem>>
        %dma_wait3A_136 = tpu.memref_squeeze %dma_wait3A_135 : memref<1x128x128xf32, #tpu.memory_space<vmem>> -> memref<128x128xf32, #tpu.memory_space<vmem>>
        %dma_wait3A_137 = arith.constant 0 : i32
        %dma_wait3A_138 = tpu.memref_slice %arg8[%add3A_82, %dma_wait3A_137] : memref<40x128xi32, #tpu.memory_space<vmem>> -> memref<1x128xi32, #tpu.memory_space<vmem>>
        %dma_wait3A_139 = tpu.memref_squeeze %dma_wait3A_138 : memref<1x128xi32, #tpu.memory_space<vmem>> -> memref<128xi32, #tpu.memory_space<vmem>>
        %dma_wait3A_140 = arith.constant 0 : i32
        %dma_wait3A_141 = arith.constant 0 : i32
        %dma_wait3A_142 = tpu.memref_slice %arg6[%dma_wait3A_140, %dma_wait3A_141] : memref<10240x128xf32, #tpu.memory_space<vmem_shared>> -> memref<10240x128xf32, #tpu.memory_space<vmem_shared>>
        tpu.wait_indirect_dma semaphore(%run_scoped3A_122 : memref<!tpu.dma_semaphore, #tpu.memory_space<semaphore_mem>>) src(%dma_wait3A_136 : memref<128x128xf32, #tpu.memory_space<vmem>>) dst(%dma_wait3A_142 : memref<10240x128xf32, #tpu.memory_space<vmem_shared>>)
        tpu.yield
      }) : () -> ()
      %add3A_95 = arith.constant 2 : i32
      %add3A_96 = arith.addi %add3A_82, %add3A_95 : i32
      %lt3A = arith.constant 40 : i32
      %lt3A_97 = arith.cmpi slt, %add3A_96, %lt3A : i32
      %convert_element_type3A = arith.extui %lt3A_97 : i1 to i32
      %cond3A = arith.constant 0 : i32
      %cond3A_98 = arith.cmpi ne, %convert_element_type3A, %cond3A : i32
      scf.if %cond3A_98 {
        %dma_start3A_122 = arith.constant 0 : i32
        %dma_start3A_123 = arith.constant 0 : i32
        %dma_start3A_124 = arith.constant 0 : i32
        %dma_start3A_125 = tpu.memref_slice %arg9[%dma_start3A_122, %dma_start3A_123, %dma_start3A_124] : memref<2x128x128xf32, #tpu.memory_space<vmem>> -> memref<1x128x128xf32, #tpu.memory_space<vmem>>
        %dma_start3A_126 = tpu.memref_squeeze %dma_start3A_125 : memref<1x128x128xf32, #tpu.memory_space<vmem>> -> memref<128x128xf32, #tpu.memory_space<vmem>>
        %dma_start3A_127 = arith.constant 0 : i32
        %dma_start3A_128 = tpu.memref_slice %arg7[%add3A_96, %dma_start3A_127] : memref<40x128xi32, #tpu.memory_space<vmem>> -> memref<1x128xi32, #tpu.memory_space<vmem>>
        %dma_start3A_129 = tpu.memref_squeeze %dma_start3A_128 : memref<1x128xi32, #tpu.memory_space<vmem>> -> memref<128xi32, #tpu.memory_space<vmem>>
        %dma_start3A_130 = arith.constant 0 : i32
        %dma_start3A_131 = arith.constant 0 : i32
        %dma_start3A_132 = tpu.memref_slice %arg2[%dma_start3A_130, %dma_start3A_131] : memref<10000x128xf32, #tpu.memory_space<hbm>> -> memref<10000x128xf32, #tpu.memory_space<hbm>>
        tpu.enqueue_indirect_dma source(%dma_start3A_132 : memref<10000x128xf32, #tpu.memory_space<hbm>>) target(%dma_start3A_126 : memref<128x128xf32, #tpu.memory_space<vmem>>) offsets(%dma_start3A_129 : memref<128xi32, #tpu.memory_space<vmem>>) semaphore(%arg10 : memref<!tpu.dma_semaphore, #tpu.memory_space<semaphore_mem>>)
      } else {
      }
      %mul3A_99 = arith.constant 2 : i32
      %mul3A_100 = arith.muli %scan3A_78, %mul3A_99 : i32
      %add3A_101 = arith.constant 1 : i32
      %add3A_102 = arith.addi %mul3A_100, %add3A_101 : i32
      %dma_wait3A_103 = arith.constant 1 : i32
      %dma_wait3A_104 = arith.constant 0 : i32
      %dma_wait3A_105 = arith.constant 0 : i32
      %dma_wait3A_106 = tpu.memref_slice %arg9[%dma_wait3A_103, %dma_wait3A_104, %dma_wait3A_105] : memref<2x128x128xf32, #tpu.memory_space<vmem>> -> memref<1x128x128xf32, #tpu.memory_space<vmem>>
      %dma_wait3A_107 = tpu.memref_squeeze %dma_wait3A_106 : memref<1x128x128xf32, #tpu.memory_space<vmem>> -> memref<128x128xf32, #tpu.memory_space<vmem>>
      %dma_wait3A_108 = arith.constant 0 : i32
      %dma_wait3A_109 = tpu.memref_slice %arg7[%add3A_102, %dma_wait3A_108] : memref<40x128xi32, #tpu.memory_space<vmem>> -> memref<1x128xi32, #tpu.memory_space<vmem>>
      %dma_wait3A_110 = tpu.memref_squeeze %dma_wait3A_109 : memref<1x128xi32, #tpu.memory_space<vmem>> -> memref<128xi32, #tpu.memory_space<vmem>>
      %dma_wait3A_111 = arith.constant 0 : i32
      %dma_wait3A_112 = arith.constant 0 : i32
      %dma_wait3A_113 = tpu.memref_slice %arg2[%dma_wait3A_111, %dma_wait3A_112] : memref<10000x128xf32, #tpu.memory_space<hbm>> -> memref<10000x128xf32, #tpu.memory_space<hbm>>
      tpu.wait_indirect_dma semaphore(%arg11 : memref<!tpu.dma_semaphore, #tpu.memory_space<semaphore_mem>>) src(%dma_wait3A_113 : memref<10000x128xf32, #tpu.memory_space<hbm>>) dst(%dma_wait3A_107 : memref<128x128xf32, #tpu.memory_space<vmem>>)
      %run_scoped3A_114 = arith.constant 1 : i32
      "tpu.region"() ({
        %run_scoped3A_122 = tpu.sem_alloc : memref<!tpu.dma_semaphore, #tpu.memory_space<semaphore_mem>>
        %dma_start3A_123 = arith.constant 0 : i32
        %dma_start3A_124 = arith.constant 0 : i32
        %dma_start3A_125 = tpu.memref_slice %arg9[%run_scoped3A_114, %dma_start3A_123, %dma_start3A_124] : memref<2x128x128xf32, #tpu.memory_space<vmem>> -> memref<1x128x128xf32, #tpu.memory_space<vmem>>
        %dma_start3A_126 = tpu.memref_squeeze %dma_start3A_125 : memref<1x128x128xf32, #tpu.memory_space<vmem>> -> memref<128x128xf32, #tpu.memory_space<vmem>>
        %dma_start3A_127 = arith.constant 0 : i32
        %dma_start3A_128 = tpu.memref_slice %arg8[%add3A_102, %dma_start3A_127] : memref<40x128xi32, #tpu.memory_space<vmem>> -> memref<1x128xi32, #tpu.memory_space<vmem>>
        %dma_start3A_129 = tpu.memref_squeeze %dma_start3A_128 : memref<1x128xi32, #tpu.memory_space<vmem>> -> memref<128xi32, #tpu.memory_space<vmem>>
        %dma_start3A_130 = arith.constant 0 : i32
        %dma_start3A_131 = arith.constant 0 : i32
        %dma_start3A_132 = tpu.memref_slice %arg6[%dma_start3A_130, %dma_start3A_131] : memref<10240x128xf32, #tpu.memory_space<vmem_shared>> -> memref<10240x128xf32, #tpu.memory_space<vmem_shared>>
        tpu.enqueue_indirect_dma source(%dma_start3A_126 : memref<128x128xf32, #tpu.memory_space<vmem>>) target(%dma_start3A_132 : memref<10240x128xf32, #tpu.memory_space<vmem_shared>>) offsets(%dma_start3A_129 : memref<128xi32, #tpu.memory_space<vmem>>) semaphore(%run_scoped3A_122 : memref<!tpu.dma_semaphore, #tpu.memory_space<semaphore_mem>>) {add = true}
        %dma_wait3A_133 = arith.constant 0 : i32
        %dma_wait3A_134 = arith.constant 0 : i32
        %dma_wait3A_135 = tpu.memref_slice %arg9[%run_scoped3A_114, %dma_wait3A_133, %dma_wait3A_134] : memref<2x128x128xf32, #tpu.memory_space<vmem>> -> memref<1x128x128xf32, #tpu.memory_space<vmem>>
        %dma_wait3A_136 = tpu.memref_squeeze %dma_wait3A_135 : memref<1x128x128xf32, #tpu.memory_space<vmem>> -> memref<128x128xf32, #tpu.memory_space<vmem>>
        %dma_wait3A_137 = arith.constant 0 : i32
        %dma_wait3A_138 = tpu.memref_slice %arg8[%add3A_102, %dma_wait3A_137] : memref<40x128xi32, #tpu.memory_space<vmem>> -> memref<1x128xi32, #tpu.memory_space<vmem>>
        %dma_wait3A_139 = tpu.memref_squeeze %dma_wait3A_138 : memref<1x128xi32, #tpu.memory_space<vmem>> -> memref<128xi32, #tpu.memory_space<vmem>>
        %dma_wait3A_140 = arith.constant 0 : i32
        %dma_wait3A_141 = arith.constant 0 : i32
        %dma_wait3A_142 = tpu.memref_slice %arg6[%dma_wait3A_140, %dma_wait3A_141] : memref<10240x128xf32, #tpu.memory_space<vmem_shared>> -> memref<10240x128xf32, #tpu.memory_space<vmem_shared>>
        tpu.wait_indirect_dma semaphore(%run_scoped3A_122 : memref<!tpu.dma_semaphore, #tpu.memory_space<semaphore_mem>>) src(%dma_wait3A_136 : memref<128x128xf32, #tpu.memory_space<vmem>>) dst(%dma_wait3A_142 : memref<10240x128xf32, #tpu.memory_space<vmem_shared>>)
        tpu.yield
      }) : () -> ()
      %add3A_115 = arith.constant 2 : i32
      %add3A_116 = arith.addi %add3A_102, %add3A_115 : i32
      %lt3A_117 = arith.constant 40 : i32
      %lt3A_118 = arith.cmpi slt, %add3A_116, %lt3A_117 : i32
      %convert_element_type3A_119 = arith.extui %lt3A_118 : i1 to i32
      %cond3A_120 = arith.constant 0 : i32
      %cond3A_121 = arith.cmpi ne, %convert_element_type3A_119, %cond3A_120 : i32
      scf.if %cond3A_121 {
        %dma_start3A_122 = arith.constant 1 : i32
        %dma_start3A_123 = arith.constant 0 : i32
        %dma_start3A_124 = arith.constant 0 : i32
        %dma_start3A_125 = tpu.memref_slice %arg9[%dma_start3A_122, %dma_start3A_123, %dma_start3A_124] : memref<2x128x128xf32, #tpu.memory_space<vmem>> -> memref<1x128x128xf32, #tpu.memory_space<vmem>>
        %dma_start3A_126 = tpu.memref_squeeze %dma_start3A_125 : memref<1x128x128xf32, #tpu.memory_space<vmem>> -> memref<128x128xf32, #tpu.memory_space<vmem>>
        %dma_start3A_127 = arith.constant 0 : i32
        %dma_start3A_128 = tpu.memref_slice %arg7[%add3A_116, %dma_start3A_127] : memref<40x128xi32, #tpu.memory_space<vmem>> -> memref<1x128xi32, #tpu.memory_space<vmem>>
        %dma_start3A_129 = tpu.memref_squeeze %dma_start3A_128 : memref<1x128xi32, #tpu.memory_space<vmem>> -> memref<128xi32, #tpu.memory_space<vmem>>
        %dma_start3A_130 = arith.constant 0 : i32
        %dma_start3A_131 = arith.constant 0 : i32
        %dma_start3A_132 = tpu.memref_slice %arg2[%dma_start3A_130, %dma_start3A_131] : memref<10000x128xf32, #tpu.memory_space<hbm>> -> memref<10000x128xf32, #tpu.memory_space<hbm>>
        tpu.enqueue_indirect_dma source(%dma_start3A_132 : memref<10000x128xf32, #tpu.memory_space<hbm>>) target(%dma_start3A_126 : memref<128x128xf32, #tpu.memory_space<vmem>>) offsets(%dma_start3A_129 : memref<128xi32, #tpu.memory_space<vmem>>) semaphore(%arg11 : memref<!tpu.dma_semaphore, #tpu.memory_space<semaphore_mem>>)
      } else {
      }
    }
    %scan3A_76 = arith.constant 20 : i32
    %barrier3A_77 = arith.constant 0 : index
    tpu.barrier barrier_id(%barrier3A_77)
    "tpu.region"() ({
      %run_scoped3A_78 = tpu.sem_alloc : memref<!tpu.dma_semaphore, #tpu.memory_space<semaphore_mem>>
      %dma_start3A_79 = arith.constant 0 : i32
      %dma_start3A_80 = tpu.memref_slice %arg5[%arg0, %mul3A_0, %dma_start3A_79] : memref<2x10240x128xf32, #tpu.memory_space<hbm>> -> memref<1x640x128xf32, #tpu.memory_space<hbm>>
      %dma_start3A_81 = tpu.memref_squeeze %dma_start3A_80 : memref<1x640x128xf32, #tpu.memory_space<hbm>> -> memref<640x128xf32, #tpu.memory_space<hbm>>
      %dma_start3A_82 = arith.constant 0 : i32
      %dma_start3A_83 = tpu.memref_slice %arg6[%mul3A_0, %dma_start3A_82] : memref<10240x128xf32, #tpu.memory_space<vmem_shared>> -> memref<640x128xf32, #tpu.memory_space<vmem_shared>>
      tpu.enqueue_dma source(%dma_start3A_83 : memref<640x128xf32, #tpu.memory_space<vmem_shared>>) target(%dma_start3A_81 : memref<640x128xf32, #tpu.memory_space<hbm>>) target_semaphore(%run_scoped3A_78 : memref<!tpu.dma_semaphore, #tpu.memory_space<semaphore_mem>>)
      %dma_wait3A_84 = arith.constant 0 : i32
      %dma_wait3A_85 = tpu.memref_slice %arg5[%arg0, %mul3A_0, %dma_wait3A_84] : memref<2x10240x128xf32, #tpu.memory_space<hbm>> -> memref<1x640x128xf32, #tpu.memory_space<hbm>>
      %dma_wait3A_86 = tpu.memref_squeeze %dma_wait3A_85 : memref<1x640x128xf32, #tpu.memory_space<hbm>> -> memref<640x128xf32, #tpu.memory_space<hbm>>
      %dma_wait3A_87 = arith.constant 0 : i32
      %dma_wait3A_88 = tpu.memref_slice %arg6[%mul3A_0, %dma_wait3A_87] : memref<10240x128xf32, #tpu.memory_space<vmem_shared>> -> memref<640x128xf32, #tpu.memory_space<vmem_shared>>
      tpu.wait_dma2 semaphore(%run_scoped3A_78 : memref<!tpu.dma_semaphore, #tpu.memory_space<semaphore_mem>>) src(%dma_wait3A_88 : memref<640x128xf32, #tpu.memory_space<vmem_shared>>) dst(%dma_wait3A_86 : memref<640x128xf32, #tpu.memory_space<hbm>>)
      tpu.yield
    }) : () -> ()
    return
  }
}

module attributes {stable_mosaic.version = 14 : i64} {
  func.func @_tcA_body(%arg0: i32, %arg1: memref<2000x128xf32, #tpu.memory_space<vmem>>, %arg2: memref<128x128xf32, #tpu.memory_space<vmem>>, %arg3: memref<128x128xf32, #tpu.memory_space<vmem>>, %arg4: memref<1x128xf32, #tpu.memory_space<vmem>>, %arg5: memref<2000x128xf32, #tpu.memory_space<vmem>>, %arg6: memref<2000x128xf32, #tpu.memory_space<vmem>>) attributes {dimension_semantics = [#tpu.dimension_semantics<arbitrary>], iteration_bounds = array<i64: 5>, scalar_prefetch = 0 : i64, scratch_operands = 0 : i64, tpu.core_type = #tpu.core_type<tc>, window_params = [{transform_indices = @transform_0, window_bounds = array<i64: 2000, 128>}, {pipeline_mode = #tpu.pipeline_mode<synchronous>, transform_indices = @transform_1, window_bounds = array<i64: 128, 128>}, {pipeline_mode = #tpu.pipeline_mode<synchronous>, transform_indices = @transform_2, window_bounds = array<i64: 128, 128>}, {pipeline_mode = #tpu.pipeline_mode<synchronous>, transform_indices = @transform_3, window_bounds = array<i64: 1, 128>}, {transform_indices = @transform_4, window_bounds = array<i64: 2000, 128>}, {transform_indices = @transform_5, window_bounds = array<i64: 2000, 128>}]} {
    %get3A = arith.constant 0 : index
    %get3A_0 = arith.constant 0 : index
    %get3A_1 = vector.load %arg1[%get3A, %get3A_0] : memref<2000x128xf32, #tpu.memory_space<vmem>>, vector<2000x128xf32>
    %get3A_2 = arith.constant 0 : index
    %get3A_3 = arith.constant 0 : index
    %get3A_4 = vector.load %arg2[%get3A_2, %get3A_3] : memref<128x128xf32, #tpu.memory_space<vmem>>, vector<128x128xf32>
    %dot_general3A = arith.constant dense<0.000000e+00> : vector<2000x128xf32>
    %dot_general3A_5 = tpu.matmul %get3A_1, %get3A_4, %dot_general3A {dimension_numbers = #tpu.dot_dimension_numbers<[1], [1], [0], [0], [0, 0, 1, 0], [], []>, transpose_lhs_hint = false} : vector<2000x128xf32>, vector<128x128xf32>, vector<2000x128xf32> -> vector<2000x128xf32>
    %swap3A = arith.constant 0 : index
    %swap3A_6 = arith.constant 0 : index
    %swap3A_7 = vector.load %arg5[%swap3A, %swap3A_6] : memref<2000x128xf32, #tpu.memory_space<vmem>>, vector<2000x128xf32>
    tpu.vector_store %arg5[%swap3A, %swap3A_6], %dot_general3A_5 {strides = array<i32>} : memref<2000x128xf32, #tpu.memory_space<vmem>>, vector<2000x128xf32>,
    %get3A_8 = arith.constant 0 : index
    %get3A_9 = arith.constant 0 : index
    %get3A_10 = vector.load %arg3[%get3A_8, %get3A_9] : memref<128x128xf32, #tpu.memory_space<vmem>>, vector<128x128xf32>
    %dot_general3A_11 = arith.constant dense<0.000000e+00> : vector<2000x128xf32>
    %dot_general3A_12 = tpu.matmul %get3A_1, %get3A_10, %dot_general3A_11 {dimension_numbers = #tpu.dot_dimension_numbers<[1], [1], [0], [0], [0, 0, 1, 0], [], []>, transpose_lhs_hint = false} : vector<2000x128xf32>, vector<128x128xf32>, vector<2000x128xf32> -> vector<2000x128xf32>
    %get3A_13 = arith.constant 0 : index
    %get3A_14 = arith.constant 0 : index
    %get3A_15 = vector.load %arg4[%get3A_13, %get3A_14] : memref<1x128xf32, #tpu.memory_space<vmem>>, vector<1x128xf32>
    %add3A = vector.broadcast %get3A_15 : vector<1x128xf32> to vector<2000x128xf32>
    %add3A_16 = arith.addf %dot_general3A_12, %add3A : vector<2000x128xf32>
    %swap3A_17 = arith.constant 0 : index
    %swap3A_18 = arith.constant 0 : index
    %swap3A_19 = vector.load %arg6[%swap3A_17, %swap3A_18] : memref<2000x128xf32, #tpu.memory_space<vmem>>, vector<2000x128xf32>
    tpu.vector_store %arg6[%swap3A_17, %swap3A_18], %add3A_16 {strides = array<i32>} : memref<2000x128xf32, #tpu.memory_space<vmem>>, vector<2000x128xf32>,
    return
  }
  func.func @transform_0(%arg0: i32) -> (i32, i32) {
    %c0_i32 = arith.constant 0 : i32
    %c0_i32_0 = arith.constant 0 : i32
    return %arg0, %c0_i32 : i32, i32
  }
  func.func @transform_1(%arg0: i32) -> (i32, i32) {
    %c0_i32 = arith.constant 0 : i32
    %c0_i32_0 = arith.constant 0 : i32
    %c0_i32_1 = arith.constant 0 : i32
    return %c0_i32, %c0_i32_0 : i32, i32
  }
  func.func @transform_2(%arg0: i32) -> (i32, i32) {
    %c0_i32 = arith.constant 0 : i32
    %c0_i32_0 = arith.constant 0 : i32
    %c0_i32_1 = arith.constant 0 : i32
    return %c0_i32, %c0_i32_0 : i32, i32
  }
  func.func @transform_3(%arg0: i32) -> (i32, i32) {
    %c0_i32 = arith.constant 0 : i32
    %c0_i32_0 = arith.constant 0 : i32
    %c0_i32_1 = arith.constant 0 : i32
    return %c0_i32, %c0_i32_0 : i32, i32
  }
  func.func @transform_4(%arg0: i32) -> (i32, i32) {
    %c0_i32 = arith.constant 0 : i32
    %c0_i32_0 = arith.constant 0 : i32
    return %arg0, %c0_i32 : i32, i32
  }
  func.func @transform_5(%arg0: i32) -> (i32, i32) {
    %c0_i32 = arith.constant 0 : i32
    %c0_i32_0 = arith.constant 0 : i32
    return %arg0, %c0_i32 : i32, i32
  }
}

module attributes {stable_mosaic.version = 14 : i64} {
  func.func @_tcB_body(%arg0: i32, %arg1: memref<2x2000x128xf32, #tpu.memory_space<vmem>>, %arg2: memref<1x1x2000xf32, #tpu.memory_space<vmem>>, %arg3: memref<1x1x2000xf32, #tpu.memory_space<vmem>>, %arg4: memref<2000x128xf32, #tpu.memory_space<vmem>>, %arg5: memref<128x128xf32, #tpu.memory_space<vmem>>, %arg6: memref<128x128xf32, #tpu.memory_space<vmem>>, %arg7: memref<1x128xf32, #tpu.memory_space<vmem>>, %arg8: memref<2000x128xf32, #tpu.memory_space<vmem>>, %arg9: memref<2000x128xf32, #tpu.memory_space<vmem>>) attributes {dimension_semantics = [#tpu.dimension_semantics<arbitrary>], iteration_bounds = array<i64: 5>, scalar_prefetch = 0 : i64, scratch_operands = 0 : i64, tpu.core_type = #tpu.core_type<tc>, window_params = [{transform_indices = @transform_0, window_bounds = array<i64: 2, 2000, 128>}, {transform_indices = @transform_1, window_bounds = array<i64: 1, 1, 2000>}, {transform_indices = @transform_2, window_bounds = array<i64: 1, 1, 2000>}, {transform_indices = @transform_3, window_bounds = array<i64: 2000, 128>}, {pipeline_mode = #tpu.pipeline_mode<synchronous>, transform_indices = @transform_4, window_bounds = array<i64: 128, 128>}, {pipeline_mode = #tpu.pipeline_mode<synchronous>, transform_indices = @transform_5, window_bounds = array<i64: 128, 128>}, {pipeline_mode = #tpu.pipeline_mode<synchronous>, transform_indices = @transform_6, window_bounds = array<i64: 1, 128>}, {transform_indices = @transform_7, window_bounds = array<i64: 2000, 128>}, {transform_indices = @transform_8, window_bounds = array<i64: 2000, 128>}]} {
    %get3A = arith.constant 0 : index
    %get3A_0 = arith.constant 0 : index
    %get3A_1 = arith.constant 0 : index
    %get3A_2 = vector.load %arg2[%get3A, %get3A_0, %get3A_1] : memref<1x1x2000xf32, #tpu.memory_space<vmem>>, vector<1x1x2000xf32>
    %get3A_3 = vector.shape_cast %get3A_2 : vector<1x1x2000xf32> to vector<1x2000xf32>
    %get3A_4 = arith.constant 0 : index
    %get3A_5 = arith.constant 0 : index
    %get3A_6 = arith.constant 0 : index
    %get3A_7 = vector.load %arg3[%get3A_4, %get3A_5, %get3A_6] : memref<1x1x2000xf32, #tpu.memory_space<vmem>>, vector<1x1x2000xf32>
    %get3A_8 = vector.shape_cast %get3A_7 : vector<1x1x2000xf32> to vector<1x2000xf32>
    %add3A = arith.addf %get3A_3, %get3A_8 : vector<1x2000xf32>
    %reshape3A = vector.shape_cast %add3A : vector<1x2000xf32> to vector<2000x1xf32>
    %max3A = arith.constant 1.000000e+00 : f32
    %max3A_9 = vector.broadcast %max3A : f32 to vector<2000x1xf32>
    %max3A_10 = arith.maximumf %reshape3A, %max3A_9 : vector<2000x1xf32>
    %get3A_11 = arith.constant 0 : index
    %get3A_12 = arith.constant 0 : index
    %get3A_13 = arith.constant 0 : index
    %get3A_14 = vector.load %arg1[%get3A_11, %get3A_12, %get3A_13] : memref<2x2000x128xf32, #tpu.memory_space<vmem>>, vector<1x2000x128xf32>
    %get3A_15 = vector.shape_cast %get3A_14 : vector<1x2000x128xf32> to vector<2000x128xf32>
    %get3A_16 = arith.constant 1 : index
    %get3A_17 = arith.constant 0 : index
    %get3A_18 = arith.constant 0 : index
    %get3A_19 = vector.load %arg1[%get3A_16, %get3A_17, %get3A_18] : memref<2x2000x128xf32, #tpu.memory_space<vmem>>, vector<1x2000x128xf32>
    %get3A_20 = vector.shape_cast %get3A_19 : vector<1x2000x128xf32> to vector<2000x128xf32>
    %add3A_21 = arith.addf %get3A_15, %get3A_20 : vector<2000x128xf32>
    %div3A = vector.broadcast %max3A_10 : vector<2000x1xf32> to vector<2000x128xf32>
    %div3A_22 = arith.divf %add3A_21, %div3A : vector<2000x128xf32>
    %get3A_23 = arith.constant 0 : index
    %get3A_24 = arith.constant 0 : index
    %get3A_25 = vector.load %arg4[%get3A_23, %get3A_24] : memref<2000x128xf32, #tpu.memory_space<vmem>>, vector<2000x128xf32>
    %add3A_26 = arith.addf %div3A_22, %get3A_25 : vector<2000x128xf32>
    %max3A_27 = arith.constant 0.000000e+00 : f32
    %max3A_28 = vector.broadcast %max3A_27 : f32 to vector<2000x128xf32>
    %max3A_29 = arith.maximumf %add3A_26, %max3A_28 : vector<2000x128xf32>
    %get3A_30 = arith.constant 0 : index
    %get3A_31 = arith.constant 0 : index
    %get3A_32 = vector.load %arg5[%get3A_30, %get3A_31] : memref<128x128xf32, #tpu.memory_space<vmem>>, vector<128x128xf32>
    %dot_general3A = arith.constant dense<0.000000e+00> : vector<2000x128xf32>
    %dot_general3A_33 = tpu.matmul %max3A_29, %get3A_32, %dot_general3A {dimension_numbers = #tpu.dot_dimension_numbers<[1], [1], [0], [0], [0, 0, 1, 0], [], []>, transpose_lhs_hint = false} : vector<2000x128xf32>, vector<128x128xf32>, vector<2000x128xf32> -> vector<2000x128xf32>
    %swap3A = arith.constant 0 : index
    %swap3A_34 = arith.constant 0 : index
    %swap3A_35 = vector.load %arg8[%swap3A, %swap3A_34] : memref<2000x128xf32, #tpu.memory_space<vmem>>, vector<2000x128xf32>
    tpu.vector_store %arg8[%swap3A, %swap3A_34], %dot_general3A_33 {strides = array<i32>} : memref<2000x128xf32, #tpu.memory_space<vmem>>, vector<2000x128xf32>,
    %get3A_36 = arith.constant 0 : index
    %get3A_37 = arith.constant 0 : index
    %get3A_38 = vector.load %arg6[%get3A_36, %get3A_37] : memref<128x128xf32, #tpu.memory_space<vmem>>, vector<128x128xf32>
    %dot_general3A_39 = arith.constant dense<0.000000e+00> : vector<2000x128xf32>
    %dot_general3A_40 = tpu.matmul %max3A_29, %get3A_38, %dot_general3A_39 {dimension_numbers = #tpu.dot_dimension_numbers<[1], [1], [0], [0], [0, 0, 1, 0], [], []>, transpose_lhs_hint = false} : vector<2000x128xf32>, vector<128x128xf32>, vector<2000x128xf32> -> vector<2000x128xf32>
    %get3A_41 = arith.constant 0 : index
    %get3A_42 = arith.constant 0 : index
    %get3A_43 = vector.load %arg7[%get3A_41, %get3A_42] : memref<1x128xf32, #tpu.memory_space<vmem>>, vector<1x128xf32>
    %add3A_44 = vector.broadcast %get3A_43 : vector<1x128xf32> to vector<2000x128xf32>
    %add3A_45 = arith.addf %dot_general3A_40, %add3A_44 : vector<2000x128xf32>
    %swap3A_46 = arith.constant 0 : index
    %swap3A_47 = arith.constant 0 : index
    %swap3A_48 = vector.load %arg9[%swap3A_46, %swap3A_47] : memref<2000x128xf32, #tpu.memory_space<vmem>>, vector<2000x128xf32>
    tpu.vector_store %arg9[%swap3A_46, %swap3A_47], %add3A_45 {strides = array<i32>} : memref<2000x128xf32, #tpu.memory_space<vmem>>, vector<2000x128xf32>,
    return
  }
  func.func @transform_0(%arg0: i32) -> (i32, i32, i32) {
    %c0_i32 = arith.constant 0 : i32
    %c0_i32_0 = arith.constant 0 : i32
    %c0_i32_1 = arith.constant 0 : i32
    return %c0_i32, %arg0, %c0_i32_0 : i32, i32, i32
  }
  func.func @transform_1(%arg0: i32) -> (i32, i32, i32) {
    %c0_i32 = arith.constant 0 : i32
    %c0_i32_0 = arith.constant 0 : i32
    %c0_i32_1 = arith.constant 0 : i32
    return %arg0, %c0_i32, %c0_i32_0 : i32, i32, i32
  }
  func.func @transform_2(%arg0: i32) -> (i32, i32, i32) {
    %c0_i32 = arith.constant 0 : i32
    %c0_i32_0 = arith.constant 0 : i32
    %c0_i32_1 = arith.constant 0 : i32
    return %arg0, %c0_i32, %c0_i32_0 : i32, i32, i32
  }
  func.func @transform_3(%arg0: i32) -> (i32, i32) {
    %c0_i32 = arith.constant 0 : i32
    %c0_i32_0 = arith.constant 0 : i32
    return %arg0, %c0_i32 : i32, i32
  }
  func.func @transform_4(%arg0: i32) -> (i32, i32) {
    %c0_i32 = arith.constant 0 : i32
    %c0_i32_0 = arith.constant 0 : i32
    %c0_i32_1 = arith.constant 0 : i32
    return %c0_i32, %c0_i32_0 : i32, i32
  }
  func.func @transform_5(%arg0: i32) -> (i32, i32) {
    %c0_i32 = arith.constant 0 : i32
    %c0_i32_0 = arith.constant 0 : i32
    %c0_i32_1 = arith.constant 0 : i32
    return %c0_i32, %c0_i32_0 : i32, i32
  }
  func.func @transform_6(%arg0: i32) -> (i32, i32) {
    %c0_i32 = arith.constant 0 : i32
    %c0_i32_0 = arith.constant 0 : i32
    %c0_i32_1 = arith.constant 0 : i32
    return %c0_i32, %c0_i32_0 : i32, i32
  }
  func.func @transform_7(%arg0: i32) -> (i32, i32) {
    %c0_i32 = arith.constant 0 : i32
    %c0_i32_0 = arith.constant 0 : i32
    return %arg0, %c0_i32 : i32, i32
  }
  func.func @transform_8(%arg0: i32) -> (i32, i32) {
    %c0_i32 = arith.constant 0 : i32
    %c0_i32_0 = arith.constant 0 : i32
    return %arg0, %c0_i32 : i32, i32
  }
}

module attributes {stable_mosaic.version = 14 : i64} {
  func.func @_tcC_body(%arg0: i32, %arg1: memref<2x2000x128xf32, #tpu.memory_space<vmem>>, %arg2: memref<1x1x2000xf32, #tpu.memory_space<vmem>>, %arg3: memref<1x1x2000xf32, #tpu.memory_space<vmem>>, %arg4: memref<2000x128xf32, #tpu.memory_space<vmem>>, %arg5: memref<1x1x2000xi32, #tpu.memory_space<vmem>>, %arg6: memref<64x128xf32, #tpu.memory_space<vmem>>, %arg7: memref<1x64xf32, #tpu.memory_space<vmem>>, %arg8: memref<64x64xf32, #tpu.memory_space<vmem>>, %arg9: memref<64x128xf32, #tpu.memory_space<vmem>>, %arg10: memref<64x1xf32, #tpu.memory_space<vmem>>) attributes {dimension_semantics = [#tpu.dimension_semantics<arbitrary>], iteration_bounds = array<i64: 5>, scalar_prefetch = 0 : i64, scratch_operands = 2 : i64, tpu.core_type = #tpu.core_type<tc>, window_params = [{transform_indices = @transform_0, window_bounds = array<i64: 2, 2000, 128>}, {transform_indices = @transform_1, window_bounds = array<i64: 1, 1, 2000>}, {transform_indices = @transform_2, window_bounds = array<i64: 1, 1, 2000>}, {transform_indices = @transform_3, window_bounds = array<i64: 2000, 128>}, {transform_indices = @transform_4, window_bounds = array<i64: 1, 1, 2000>}, {pipeline_mode = #tpu.pipeline_mode<synchronous>, transform_indices = @transform_5, window_bounds = array<i64: 64, 128>}, {pipeline_mode = #tpu.pipeline_mode<synchronous>, transform_indices = @transform_6, window_bounds = array<i64: 1, 64>}, {pipeline_mode = #tpu.pipeline_mode<synchronous>, transform_indices = @transform_7, window_bounds = array<i64: 64, 64>}]} {
    %eq3A = arith.constant 0 : i32
    %eq3A_0 = arith.cmpi eq, %arg0, %eq3A : i32
    %convert_element_type3A = arith.extui %eq3A_0 : i1 to i32
    %cond3A = arith.constant 0 : i32
    %cond3A_1 = arith.cmpi ne, %convert_element_type3A, %cond3A : i32
    scf.if %cond3A_1 {
      %broadcast_in_dim3A_61 = arith.constant 0.000000e+00 : f32
      %broadcast_in_dim3A_62 = vector.broadcast %broadcast_in_dim3A_61 : f32 to vector<64x128xf32>
      %swap3A_63 = arith.constant 0 : index
      %swap3A_64 = arith.constant 0 : index
      %swap3A_65 = vector.load %arg9[%swap3A_63, %swap3A_64] : memref<64x128xf32, #tpu.memory_space<vmem>>, vector<64x128xf32>
      tpu.vector_store %arg9[%swap3A_63, %swap3A_64], %broadcast_in_dim3A_62 {strides = array<i32>} : memref<64x128xf32, #tpu.memory_space<vmem>>, vector<64x128xf32>,
      %broadcast_in_dim3A_66 = arith.constant 0.000000e+00 : f32
      %broadcast_in_dim3A_67 = vector.broadcast %broadcast_in_dim3A_66 : f32 to vector<64x1xf32>
      %swap3A_68 = arith.constant 0 : index
      %swap3A_69 = arith.constant 0 : index
      %swap3A_70 = vector.load %arg10[%swap3A_68, %swap3A_69] : memref<64x1xf32, #tpu.memory_space<vmem>>, vector<64x1xf32>
      tpu.vector_store %arg10[%swap3A_68, %swap3A_69], %broadcast_in_dim3A_67 {strides = array<i32>} : memref<64x1xf32, #tpu.memory_space<vmem>>, vector<64x1xf32>,
    } else {
    }
    %get3A = arith.constant 0 : index
    %get3A_2 = arith.constant 0 : index
    %get3A_3 = arith.constant 0 : index
    %get3A_4 = vector.load %arg2[%get3A, %get3A_2, %get3A_3] : memref<1x1x2000xf32, #tpu.memory_space<vmem>>, vector<1x1x2000xf32>
    %get3A_5 = vector.shape_cast %get3A_4 : vector<1x1x2000xf32> to vector<1x2000xf32>
    %get3A_6 = arith.constant 0 : index
    %get3A_7 = arith.constant 0 : index
    %get3A_8 = arith.constant 0 : index
    %get3A_9 = vector.load %arg3[%get3A_6, %get3A_7, %get3A_8] : memref<1x1x2000xf32, #tpu.memory_space<vmem>>, vector<1x1x2000xf32>
    %get3A_10 = vector.shape_cast %get3A_9 : vector<1x1x2000xf32> to vector<1x2000xf32>
    %add3A = arith.addf %get3A_5, %get3A_10 : vector<1x2000xf32>
    %reshape3A = vector.shape_cast %add3A : vector<1x2000xf32> to vector<2000x1xf32>
    %max3A = arith.constant 1.000000e+00 : f32
    %max3A_11 = vector.broadcast %max3A : f32 to vector<2000x1xf32>
    %max3A_12 = arith.maximumf %reshape3A, %max3A_11 : vector<2000x1xf32>
    %get3A_13 = arith.constant 0 : index
    %get3A_14 = arith.constant 0 : index
    %get3A_15 = arith.constant 0 : index
    %get3A_16 = vector.load %arg1[%get3A_13, %get3A_14, %get3A_15] : memref<2x2000x128xf32, #tpu.memory_space<vmem>>, vector<1x2000x128xf32>
    %get3A_17 = vector.shape_cast %get3A_16 : vector<1x2000x128xf32> to vector<2000x128xf32>
    %get3A_18 = arith.constant 1 : index
    %get3A_19 = arith.constant 0 : index
    %get3A_20 = arith.constant 0 : index
    %get3A_21 = vector.load %arg1[%get3A_18, %get3A_19, %get3A_20] : memref<2x2000x128xf32, #tpu.memory_space<vmem>>, vector<1x2000x128xf32>
    %get3A_22 = vector.shape_cast %get3A_21 : vector<1x2000x128xf32> to vector<2000x128xf32>
    %add3A_23 = arith.addf %get3A_17, %get3A_22 : vector<2000x128xf32>
    %div3A = vector.broadcast %max3A_12 : vector<2000x1xf32> to vector<2000x128xf32>
    %div3A_24 = arith.divf %add3A_23, %div3A : vector<2000x128xf32>
    %get3A_25 = arith.constant 0 : index
    %get3A_26 = arith.constant 0 : index
    %get3A_27 = vector.load %arg4[%get3A_25, %get3A_26] : memref<2000x128xf32, #tpu.memory_space<vmem>>, vector<2000x128xf32>
    %add3A_28 = arith.addf %div3A_24, %get3A_27 : vector<2000x128xf32>
    %max3A_29 = arith.constant 0.000000e+00 : f32
    %max3A_30 = vector.broadcast %max3A_29 : f32 to vector<2000x128xf32>
    %max3A_31 = arith.maximumf %add3A_28, %max3A_30 : vector<2000x128xf32>
    %get3A_32 = arith.constant 0 : index
    %get3A_33 = arith.constant 0 : index
    %get3A_34 = arith.constant 0 : index
    %get3A_35 = vector.load %arg5[%get3A_32, %get3A_33, %get3A_34] : memref<1x1x2000xi32, #tpu.memory_space<vmem>>, vector<1x1x2000xi32>
    %get3A_36 = vector.shape_cast %get3A_35 : vector<1x1x2000xi32> to vector<1x2000xi32>
    %iota3A = tpu.iota {dimensions = array<i32: 0>} : vector<64x2000xi32>
    %eq3A_37 = vector.broadcast %get3A_36 : vector<1x2000xi32> to vector<64x2000xi32>
    %eq3A_38 = arith.cmpi eq, %iota3A, %eq3A_37 : vector<64x2000xi32>
    %convert_element_type3A_39 = arith.extui %eq3A_38 : vector<64x2000xi1> to vector<64x2000xi32>
    %convert_element_type3A_40 = arith.sitofp %convert_element_type3A_39 : vector<64x2000xi32> to vector<64x2000xf32>
    %get3A_41 = arith.constant 0 : index
    %get3A_42 = arith.constant 0 : index
    %get3A_43 = vector.load %arg9[%get3A_41, %get3A_42] : memref<64x128xf32, #tpu.memory_space<vmem>>, vector<64x128xf32>
    %dot_general3A = arith.constant dense<0.000000e+00> : vector<64x128xf32>
    %dot_general3A_44 = tpu.matmul %convert_element_type3A_40, %max3A_31, %dot_general3A {dimension_numbers = #tpu.dot_dimension_numbers<[1], [0], [0], [1], [0, 0, 1, 1], [], []>, transpose_lhs_hint = false} : vector<64x2000xf32>, vector<2000x128xf32>, vector<64x128xf32> -> vector<64x128xf32>
    %add3A_45 = arith.addf %get3A_43, %dot_general3A_44 : vector<64x128xf32>
    %swap3A = arith.constant 0 : index
    %swap3A_46 = arith.constant 0 : index
    %swap3A_47 = vector.load %arg9[%swap3A, %swap3A_46] : memref<64x128xf32, #tpu.memory_space<vmem>>, vector<64x128xf32>
    tpu.vector_store %arg9[%swap3A, %swap3A_46], %add3A_45 {strides = array<i32>} : memref<64x128xf32, #tpu.memory_space<vmem>>, vector<64x128xf32>,
    %get3A_48 = arith.constant 0 : index
    %get3A_49 = arith.constant 0 : index
    %get3A_50 = vector.load %arg10[%get3A_48, %get3A_49] : memref<64x1xf32, #tpu.memory_space<vmem>>, vector<64x1xf32>
    %reduce_sum3A = arith.constant dense<0.000000e+00> : vector<64xf32>
    %reduce_sum3A_51 = vector.multi_reduction <add>, %convert_element_type3A_40, %reduce_sum3A [1] : vector<64x2000xf32> to vector<64xf32>
    %broadcast_in_dim3A = vector.shape_cast %reduce_sum3A_51 : vector<64xf32> to vector<64x1xf32>
    %add3A_52 = arith.addf %get3A_50, %broadcast_in_dim3A : vector<64x1xf32>
    %swap3A_53 = arith.constant 0 : index
    %swap3A_54 = arith.constant 0 : index
    %swap3A_55 = vector.load %arg10[%swap3A_53, %swap3A_54] : memref<64x1xf32, #tpu.memory_space<vmem>>, vector<64x1xf32>
    tpu.vector_store %arg10[%swap3A_53, %swap3A_54], %add3A_52 {strides = array<i32>} : memref<64x1xf32, #tpu.memory_space<vmem>>, vector<64x1xf32>,
    %eq3A_56 = arith.constant 4 : i32
    %eq3A_57 = arith.cmpi eq, %arg0, %eq3A_56 : i32
    %convert_element_type3A_58 = arith.extui %eq3A_57 : i1 to i32
    %cond3A_59 = arith.constant 0 : i32
    %cond3A_60 = arith.cmpi ne, %convert_element_type3A_58, %cond3A_59 : i32
    scf.if %cond3A_60 {
      %get3A_61 = arith.constant 0 : index
      %get3A_62 = arith.constant 0 : index
      %get3A_63 = vector.load %arg9[%get3A_61, %get3A_62] : memref<64x128xf32, #tpu.memory_space<vmem>>, vector<64x128xf32>
      %get3A_64 = arith.constant 0 : index
      %get3A_65 = arith.constant 0 : index
      %get3A_66 = vector.load %arg10[%get3A_64, %get3A_65] : memref<64x1xf32, #tpu.memory_space<vmem>>, vector<64x1xf32>
      %max3A_67 = arith.constant 1.000000e+00 : f32
      %max3A_68 = vector.broadcast %max3A_67 : f32 to vector<64x1xf32>
      %max3A_69 = arith.maximumf %get3A_66, %max3A_68 : vector<64x1xf32>
      %div3A_70 = vector.broadcast %max3A_69 : vector<64x1xf32> to vector<64x128xf32>
      %div3A_71 = arith.divf %get3A_63, %div3A_70 : vector<64x128xf32>
      %get3A_72 = arith.constant 0 : index
      %get3A_73 = arith.constant 0 : index
      %get3A_74 = vector.load %arg6[%get3A_72, %get3A_73] : memref<64x128xf32, #tpu.memory_space<vmem>>, vector<64x128xf32>
      %dot_general3A_75 = arith.constant dense<0.000000e+00> : vector<64x64xf32>
      %dot_general3A_76 = tpu.matmul %div3A_71, %get3A_74, %dot_general3A_75 {dimension_numbers = #tpu.dot_dimension_numbers<[1], [1], [0], [0], [0, 0, 1, 0], [], []>, transpose_lhs_hint = false} : vector<64x128xf32>, vector<64x128xf32>, vector<64x64xf32> -> vector<64x64xf32>
      %get3A_77 = arith.constant 0 : index
      %get3A_78 = arith.constant 0 : index
      %get3A_79 = vector.load %arg7[%get3A_77, %get3A_78] : memref<1x64xf32, #tpu.memory_space<vmem>>, vector<1x64xf32>
      %add3A_80 = vector.broadcast %get3A_79 : vector<1x64xf32> to vector<64x64xf32>
      %add3A_81 = arith.addf %dot_general3A_76, %add3A_80 : vector<64x64xf32>
      %swap3A_82 = arith.constant 0 : index
      %swap3A_83 = arith.constant 0 : index
      %swap3A_84 = vector.load %arg8[%swap3A_82, %swap3A_83] : memref<64x64xf32, #tpu.memory_space<vmem>>, vector<64x64xf32>
      tpu.vector_store %arg8[%swap3A_82, %swap3A_83], %add3A_81 {strides = array<i32>} : memref<64x64xf32, #tpu.memory_space<vmem>>, vector<64x64xf32>,
    } else {
    }
    return
  }
  func.func @transform_0(%arg0: i32) -> (i32, i32, i32) {
    %c0_i32 = arith.constant 0 : i32
    %c0_i32_0 = arith.constant 0 : i32
    %c0_i32_1 = arith.constant 0 : i32
    return %c0_i32, %arg0, %c0_i32_0 : i32, i32, i32
  }
  func.func @transform_1(%arg0: i32) -> (i32, i32, i32) {
    %c0_i32 = arith.constant 0 : i32
    %c0_i32_0 = arith.constant 0 : i32
    %c0_i32_1 = arith.constant 0 : i32
    return %arg0, %c0_i32, %c0_i32_0 : i32, i32, i32
  }
  func.func @transform_2(%arg0: i32) -> (i32, i32, i32) {
    %c0_i32 = arith.constant 0 : i32
    %c0_i32_0 = arith.constant 0 : i32
    %c0_i32_1 = arith.constant 0 : i32
    return %arg0, %c0_i32, %c0_i32_0 : i32, i32, i32
  }
  func.func @transform_3(%arg0: i32) -> (i32, i32) {
    %c0_i32 = arith.constant 0 : i32
    %c0_i32_0 = arith.constant 0 : i32
    return %arg0, %c0_i32 : i32, i32
  }
  func.func @transform_4(%arg0: i32) -> (i32, i32, i32) {
    %c0_i32 = arith.constant 0 : i32
    %c0_i32_0 = arith.constant 0 : i32
    %c0_i32_1 = arith.constant 0 : i32
    return %arg0, %c0_i32, %c0_i32_0 : i32, i32, i32
  }
  func.func @transform_5(%arg0: i32) -> (i32, i32) {
    %c0_i32 = arith.constant 0 : i32
    %c0_i32_0 = arith.constant 0 : i32
    %c0_i32_1 = arith.constant 0 : i32
    return %c0_i32, %c0_i32_0 : i32, i32
  }
  func.func @transform_6(%arg0: i32) -> (i32, i32) {
    %c0_i32 = arith.constant 0 : i32
    %c0_i32_0 = arith.constant 0 : i32
    %c0_i32_1 = arith.constant 0 : i32
    return %c0_i32, %c0_i32_0 : i32, i32
  }
  func.func @transform_7(%arg0: i32) -> (i32, i32) {
    %c0_i32 = arith.constant 0 : i32
    %c0_i32_0 = arith.constant 0 : i32
    %c0_i32_1 = arith.constant 0 : i32
    return %c0_i32, %c0_i32_0 : i32, i32
  }
}

</mosaic_0001>

<sc_bundles>
// kernel: kernel.10.cloned.1.call-start
scs
__scs_entry_jumppad:
0x0: {  	(pc) =	sbr.rel $0x88, $3  }
0x1: {  	(tag) =	ssettag $0x0;
	lr =	simm.s32 $0x1  }
0x2: {  	[smem:$0x3F96] =	sst lr;
	_ =	strace $0xD0000000  }
0x3: {  	_ = 	snop  }
0x4: {  	_ = 	snop  }
0x5: {  	_ = 	snop  }
0x6: {  	_ = 	snop  }
0x7: {  	_ = 	snop  }
__scs_overlays_trampoline_lowered:
0x8: {  	[smem:$0x3FA5] =	sst s0  }
0x9: {  	[smem:$0x3FA6] =	sst s1  }
0xa: {  	[smem:$0x3FA7] =	sst s2  }
0xb: {  	[smem:$0x3FA8] =	sst s3  }
0xc: {  	[smem:$0x3FA9] =	sst s4  }
0xd: {  	[smem:$0x3FAA] =	sst s5  }
0xe: {  	[smem:$0x3FAB] =	sst s6  }
0xf: {  	[smem:$0x3FAC] =	sst s7  }
0x10: {  	[smem:$0x3FAD] =	sst s8  }
0x11: {  	[smem:$0x3FAE] =	sst s9;
	s0 =	simm.s32 @!p0 $0x0  }
0x12: {  	s1 =	sld [smem:$0x3F94];
	s0 =	simm.s32 @p0 $0x1  }
0x13: {  	[smem:$0x3FAF] =	sst s0;
	s0 =	simm.s32 @!p1 $0x0  }
0x14: {  	s2 =	sld [smem:$0x3F93];
	s0 =	simm.s32 @p1 $0x1  }
0x15: {  	[smem:$0x3FB0] =	sst s0;
	s0 =	simm.s32 @!p2 $0x0  }
0x16: {  	s3 =	sld [smem:$0x3FDB];
	s0 =	simm.s32 @p2 $0x1  }
0x17: {  	s4 =	simm.s32 $0x1BF5;
	[smem:$0x3FB2] =	sst s0  }
0x18: {  	s0 =	sld [smem:$0x3F95];
	_ =	swait.ge [sflag:s4], $0x0  }
0x19: {  	s7 =	sld [smem:$0x3F96]  }
0x1a: {  	s8 =	sadd.s32 $0xFFFFE003, lr  }
0x1b: {  	s9 =	sadd.s32 $0xFFFFFEF7, lr;
	s5 =	simm.s32 $0xFFFFFFFF;
	p2 =	slt.u32 s8, $0xFFFFF086  }
0x1c: {  	p1 =	slt.u32 s9, $0xF7A;
	s5 =	simm.s32 @!p2 $0x0  }
0x1d: {  	s5 =	simm.s32 @p1 $0x1;
	p0 =	seq.s32 s7, s2  }
0x1e: {  	s7 =	smul.u32 @!p0 $0xF7A, s2;
	p2 =	seq.s32 @!p0 s5, $0x0  }
0x1f: {  	s9 =	smul.u32 $0xF7A, s1;
	s8 =	simm.s32 @!p0 $0x1BF5;
	p2 =	por !p2, p0  }
0x20: {  	[sflag:s8] =	ssyncset.s32 @!p0 $0xFFFFF086;
	s6 =	sadd.s32 @!p0 s3, s7;
	s7 =	simm.s32 @!p0 $0x108  }
0x21: {  	s3 =	sadd.s32 s3, s9;
	s6 =	sadd.s32 @!p0 $0x88, s6;
	s7 =	simm.s32 @p2 $0x1082  }
0x22: {  	[simem:s7], [sflag:s8] =	dma.local @!p0 [hbm:s6], $0xF7A  }
0x23: {  	s9 =	sor.u32 $0xD0000000, s2;
	s6 =	simm.s32 $0x108;
	_ =	swait.ge @!p0 [sflag:s8], $0x0  }
0x24: {  	s3 =	sadd.s32 $0x88, s3;
	s6 =	simm.s32 @!p1 $0x1082;
	[sflag:s4] =	ssyncset.s32 $0xFFFFF086  }
0x25: {  	[simem:s6], [sflag:s4] =	dma.local [hbm:s3], $0xF7A  }
0x26: {  	[smem:$0x3F96] =	sst s1;
	(tag) =	ssettag s2;
	_ =	strace s9  }
0x27: {  	s1 =	sld [smem:$0x3FA6]  }
0x28: {  	s2 =	sld [smem:$0x3FA7]  }
0x29: {  	s4 =	sld [smem:$0x3FA9]  }
0x2a: {  	p0 =	seq.s32 s5, $0x0;
	s5 =	sld [smem:$0x3FAA]  }
0x2b: {  	s6 =	sld [smem:$0x3FAB]  }
0x2c: {  	s7 =	sld [smem:$0x3FAC]  }
0x2d: {  	s3 =	simm.s32 $0x108;
	s8 =	sld [smem:$0x3FAD]  }
0x2e: {  	s3 =	simm.s32 @!p0 $0x1082;
	s9 =	sld [smem:$0x3FAE]  }
0x2f: {  	lr =	sadd.s32 s0, s3;
	s0 =	sld [smem:$0x3FA5]  }
0x30: {  	s3 =	sld [smem:$0x3FA8]  }
0x31: {  	[smem:$0x3FB1] =	sst s10  }
0x32: {  	s10 =	sld [smem:$0x3FAF];
	_ =	sdelay $0x3  }
0x33: {  	p0 =	seq.s32 s10, $0x1;
	s10 =	sld [smem:$0x3FB1];
	_ =	sdelay $0x3  }
0x34: {  	[smem:$0x3FB1] =	sst s10  }
0x35: {  	s10 =	sld [smem:$0x3FB0];
	_ =	sdelay $0x3  }
0x36: {  	p1 =	seq.s32 s10, $0x1;
	s10 =	sld [smem:$0x3FB1];
	_ =	sdelay $0x3  }
0x37: {  	[smem:$0x3FB1] =	sst s10  }
0x38: {  	s10 =	sld [smem:$0x3FB2]  }
0x39: {  	_ = 	snop;
	(pc) =	sbr.ind lr, $3  }
0x3a: {  	_ = 	snop  }
0x3b: {  	_ = 	snop  }
0x3c: {  	p2 =	seq.s32 s10, $0x1;
	s10 =	sld [smem:$0x3FB1]  }
0x3d: {  	_ =	shalt  }
0x3e: {  	_ =	shalt  }
0x3f: {  	_ =	shalt  }
0x40: {  	_ =	shalt  }
0x41: {  	_ =	shalt  }
0x42: {  	_ =	shalt  }
0x43: {  	_ =	shalt  }
0x44: {  	_ =	shalt  }
0x45: {  	_ =	shalt  }
0x46: {  	_ =	shalt  }
0x47: {  	_ =	shalt  }
0x48: {  	_ =	shalt  }
0x49: {  	_ =	shalt  }
0x4a: {  	_ =	shalt  }
0x4b: {  	_ =	shalt  }
0x4c: {  	_ =	shalt  }
0x4d: {  	_ =	shalt  }
0x4e: {  	_ =	shalt  }
0x4f: {  	_ =	shalt  }
0x50: {  	_ =	shalt  }
0x51: {  	_ =	shalt  }
0x52: {  	_ =	shalt  }
0x53: {  	_ =	shalt  }
0x54: {  	_ =	shalt  }
0x55: {  	_ =	shalt  }
0x56: {  	_ =	shalt  }
0x57: {  	_ =	shalt  }
0x58: {  	_ =	shalt  }
0x59: {  	_ =	shalt  }
0x5a: {  	_ =	shalt  }
0x5b: {  	_ =	shalt  }
0x5c: {  	_ =	shalt  }
0x5d: {  	_ =	shalt  }
0x5e: {  	_ =	shalt  }
0x5f: {  	_ =	shalt  }
0x60: {  	_ =	shalt  }
0x61: {  	_ =	shalt  }
0x62: {  	_ =	shalt  }
0x63: {  	_ =	shalt  }
0x64: {  	_ =	shalt  }
0x65: {  	_ =	shalt  }
0x66: {  	_ =	shalt  }
0x67: {  	_ =	shalt  }
0x68: {  	_ =	shalt  }
0x69: {  	_ =	shalt  }
0x6a: {  	_ =	shalt  }
0x6b: {  	_ =	shalt  }
0x6c: {  	_ =	shalt  }
0x6d: {  	_ =	shalt  }
0x6e: {  	_ =	shalt  }
0x6f: {  	_ =	shalt  }
0x70: {  	_ =	shalt  }
0x71: {  	_ =	shalt  }
0x72: {  	_ =	shalt  }
0x73: {  	_ =	shalt  }
0x74: {  	_ =	shalt  }
0x75: {  	_ =	shalt  }
0x76: {  	_ =	shalt  }
0x77: {  	_ =	shalt  }
0x78: {  	_ =	shalt  }
0x79: {  	_ =	shalt  }
0x7a: {  	_ =	shalt  }
0x7b: {  	_ =	shalt  }
0x7c: {  	_ =	shalt  }
0x7d: {  	_ =	shalt  }
0x7e: {  	_ =	shalt  }
0x7f: {  	_ =	shalt  }
0x80: {  	_ =	shalt  }
0x81: {  	_ =	shalt  }
0x82: {  	_ =	shalt  }
0x83: {  	_ =	shalt  }
0x84: {  	_ =	shalt  }
0x85: {  	_ =	shalt  }
0x86: {  	_ =	shalt  }
0x87: {  	_ =	shalt  }
.Lfunc_end0:
.L_simem_size_0:
called_computation.1_lowered:
.L_overlay_start_0:
0x88: {  	s2 =	sld [smem:$0x3FD9]  }
0x89: {  	s3 =	sld [smem:$0x3FFE];
	_ =	sdelay $0x1  }
0x8a: {  	s1 =	srdreg.scid  }
0x8b: {  	s0 =	sand.u32 $0x1, s1  }
0x8c: {  	s16 =	sshll.u32 s0, $0xA;
	s2 =	sadd.s32 s3, s2  }
0x8d: {  	s2 =	sadd.s32 s2, s16  }
0x8e: {  	[smem:$0x3FBD] =	sst s2  }
0x8f: {  	_ = 	snop  }
0x90: {  	(tm) =	ssettm $0x1  }
0x91: {  	s17 =	sld [smem:$0x3FFB];
	_ =	sdelay $0x3  }
0x92: {  	_ =	strace s17  }
0x93: {  	s2 =	sld [smem:$0x3FFC];
	_ =	sdelay $0x3  }
0x94: {  	_ =	strace s2  }
0x95: {  	s2 =	sld [smem:$0x3FFD];
	_ =	sdelay $0x3  }
0x96: {  	_ =	strace s2  }
0x97: {  	_ =	strace $0x8FFFFFFF  }
0x98: {  	s18 =	sld [smem:$0x3FDB];
	_ =	sdelay $0x1  }
0x99: {  	s19 =	simm.s32 $_scs_section_size  }
0x9a: {  	s4 =	simm.s32 $_size__tile_overlayer_lowered;
	s5 =	simm.s32 $_tile_overlayer_lowered  }
0x9b: {  	s22 =	simm.s32 $0x1BFF;
	s21 =	sshll.u32 s5, $0x1;
	s2 =	sadd.s32 s19, s18  }
0x9c: {  	s6 =	simm.s32 $0x0;
	s20 =	sshll.u32 s4, $0x1;
	s4 =	sadd.s32 s21, s2  }
0x9d: {  	[timem:s6], [sflag:s22] =	dma.local [hbm:s4], s20  }
0x9e: {  	_ =	swait.ge [sflag:s22], s20  }
0x9f: {  	s3 =	ssub.s32 $0x0, s20;
	[sflag:s22] =	ssyncset.done $0x0  }
0xa0: {  	[sflag:s22] =	ssyncadd.s32 s3;
	_ =	sdelay $0x1  }
0xa1: {  	s23 =	simm.s32 $0x1B8B  }
0xa2: {  	_ =	swait.ge [sflag:s23], $0x1  }
0xa3: {  	[sflag:s23] =	ssyncset.done $0x0  }
0xa4: {  	s25 =	simm.s32 $0x1B8E;
	s24 =	sld [smem:$0x3FFE];
	[sflag:s23] =	ssyncadd.s32 $0xFFFFFFFF  }
0xa5: {  	s26 =	simm.s32 $execute0_lowered;
	[smem:$0x3FD2] =	sst s25  }
0xa6: {  	s4 =	sshll.u32 s26, $0x1;
	_ =	strace $0x80000049;
	[dreg:$0x1] =	wrdreg $0xFFFFFFFF  }
0xa7: {  	s28 =	simm.s32 $_size_execute0_lowered;
	s2 =	sadd.s32 s2, s4;
	[dreg:$0x0] =	wrdreg $0x0  }
0xa8: {  	s4 =	sshll.u32 s28, $0x1;
	[dreg:$0x2] =	wrdreg s2  }
0xa9: {  	[dreg:$0x3] =	wrdreg s4  }
0xaa: {  	[dreg:$0x4] =	wrdreg $0xC0  }
0xab: {  	_ =	task [dreg:s6], $0x5FFFF  }
0xac: {  	[dreg:$0x1] =	wrdreg $0xFFFFFFFF  }
0xad: {  	[dreg:$0x0] =	wrdreg $0x60  }
0xae: {  	[dreg:$0x2] =	wrdreg s24  }
0xaf: {  	[dreg:$0x3] =	wrdreg $0x0  }
0xb0: {  	[dreg:$0x4] =	wrdreg $0x9  }
0xb1: {  	_ =	task.clear_ibuf [dreg:s6], $0x5FFFF;
	_ =	strace $0x90000049  }
0xb2: {  	s29 =	simm.s32 $0x9;
	_ =	strace $0x8000004B  }
0xb3: {  	_ =	swait.ge [sflag:s29], $0x1  }
0xb4: {  	[sflag:s29] =	ssyncadd.s32 $0xFFFFFFFF  }
0xb5: {  	_ =	strace $0x9000004B  }
0xb6: {  	_ =	sfence  }
0xb7: {  	s30 =	sld [smem:$0x0];
	_ =	sdelay $0x2  }
0xb8: {  	s31 =	sshll.u32 s1, $0xD;
	s1 =	sshrl.u32 s1, $0x2  }
0xb9: {  	s3 =	sand.u32 $0x4000, s31;
	s1 =	sadd.s32 s1, s30  }
0xba: {  	s0 =	sor.u32 s3, s0;
	s1 =	sshll.u32 s1, $0x11  }
0xbb: {  	s0 =	sor.u32 s1, s0  }
0xbc: {  	s0 =	sadd.s32 $0x8F2B, s0  }
0xbd: {  	[sflag:s0] =	ssyncadd.remote.s32 $0x1  }
0xbe: {  	_ =	sfence.sel $0xFFFF  }
0xbf: {  	[dreg:$0x0] =	wrdreg $0xFFFFFFFF;
	(pc) =	sbr.abs _section_cstart, $3  }
0xc0: {  	[dreg:$0x1] =	wrdreg $0xFFFFFFFF  }
0xc1: {  	_ =	task.clear_ibuf [dreg:s6], $0x2FFFF;
	_ =	strace $0x9FFFFFFF  }
0xc2: {  	(tm) =	ssettm $0x7FFFFFFF  }
0xc3: {  	_ =	shalt  }
tec
execute0_lowered:
.L_overlay_start_1:
0x0: {  	(tag) =	ssettag $0x1  }
0x1: {  	s6 =	rddreg [dreg:$0x0]  }
0x2: {  	s0 =	srdreg.scid;
	s2 =	rddreg [dreg:$0x1]  }
0x3: {  	s3 =	simm.s32 $0x0;
	s15 =	simm.s32 $0x14000;
	s16 =	simm.s32 $0x4  }
0x4: {  	s17 =	simm.s32 $0x15400;
	s18 =	simm.s32 $0x80;
	s19 =	simm.s32 $0x16800  }
0x5: {  	s20 =	simm.s32 $0x14080;
	s21 =	simm.s32 $0x1A800;
	s22 =	simm.s32 $0x3  }
0x6: {  	s23 =	simm.s32 $0x1;
	s24 =	simm.s32 $0x2;
	s25 =	simm.s32 $0x16700  }
0x7: {  	s26 =	simm.s32 $0x16780;
	s5 =	sand.u32 $0x1, s0;
	s0 =	stileid.u32  }
0x8: {  	s28 =	simm.s32 $0x0;
	[smem:$0x7FF] =	sst s3;
	s7 =	smul.u32 $0x14000, s0  }
0x9: {  	s1 =	sshll.u32 s5, $0x4;
	s9 =	smul.u32 $0x140000, s5;
	s5 =	ssub.s32 $0x2, s5  }
0xa: {  	s30 =	smul.u32 $0x50000, s0;
	s4 =	sor.u32 s0, s1;
	s1 =	rddreg [dreg:$0x2]  }
0xb: {  	_ =	strace $0x8000004A;
	s10 =	sshrl.u32 s5, $0x1;
	s4 =	smul.u32 $0x2800, s4  }
0xc: {  	s29 =	sshrl.u32 s7, $0x3;
	s7 =	sadd.s32 s7, s9;
	s31 =	sshrl.u32 s30, $0x2  }
0xd: {  	s13 =	ssub.s32 s5, s10;
	s7 =	sshrl.u32 s7, $0x3;
	s14 =	sadd.s32 s31, s2  }
0xe: {  	s13 =	smax.u32 s13, $0x1;
	s8 =	sshrl.u32 s4, $0x3;
	s4 =	sadd.s32 $0x16400, s6  }
0xf: {  	s12 =	sadd.s32 s7, s6;
	s14 =	sshrl.u32 s14, $0x3;
	s11 =	sadd.s32 s8, s6  }
0x10: {  	s8 =	sadd.s32 s29, s6;
	s6 =	sshll.u32 s0, $0x6;
	s12 =	sadd.s32 $0x65600, s12  }
0x11: {  	s5 =	sadd.s32 $0x3D600, s8;
	s7 =	sor.u32 $0x1C03, s6;
	s8 =	sadd.s32 $0x2400, s11  }
0x12: {  	s9 =	sadd.s32 $0xC400, s11;
	s10 =	sadd.s32 $0x2680, s11;
	s11 =	sadd.s32 $0xC680, s11  }
.LBB2_1:
0x13: {  	[spmem:s14], [sflag:s7] =	dma.local [hbm:s5], $0x2800  }
0x14: {  	[tilespmem:s15], [sflag:$0x4] =	stream.linear.gather [hbm4b:s8+s3], $0x1400, $0x38;
	[tilespmem:$0x1E800] =	vst v63  }
0x15: {  	_ =	swait.ge [sflag:s16], $0x1400  }
0x16: {  	[sflag:s16] =	ssyncset.done $0x0  }
0x17: {  	[sflag:s16] =	ssyncadd.s32 $0xFFFFEC00  }
0x18: {  	[tilespmem:s17], [sflag:$0x4] =	stream.linear.gather [hbm4b:s9+s3], $0x1400, $0x38;
	[tilespmem:$0x1E800] =	vst v63  }
0x19: {  	_ =	swait.ge [sflag:s16], $0x1400  }
0x1a: {  	[sflag:s16] =	ssyncset.done $0x0  }
0x1b: {  	[sflag:s16] =	ssyncadd.s32 $0xFFFFEC00  }
0x1c: {  	[tilespmem:s19], [sflag:$0x1] =	stream.indirect.gather [hbm4b:s4+s18], $0x80, s15, s18, $0xb8;
	[tilespmem:$0x1E800] =	vst v63  }
0x1d: {  	_ = 	snop  }
0x1e: {  	[tilespmem:s21], [sflag:$0x2] =	stream.indirect.gather [hbm4b:s4+s18], $0x80, s20, s18, $0xb8;
	[tilespmem:$0x1E800] =	vst v63  }
0x1f: {  	_ =	swait.ge [sflag:s22], $0x2800  }
0x20: {  	[sflag:s22] =	ssyncset.done $0x0  }
0x21: {  	[sflag:s22] =	ssyncadd.s32 $0xFFFFD800  }
0x22: {  	[bflag:$0x0] =	sbarrier.arrive $0xFFFF  }
0x23: {  	_ =	swait.ge [sflag:s23], $0x4000  }
0x24: {  	[sflag:s23] =	ssyncset.done $0x0  }
0x25: {  	s29 =	simm.s32 $0x15400;
	[sflag:s23] =	ssyncadd.s32 $0xFFFFC000  }
0x26: {  	[spmem:s2] =	stream.indirect.scatter.add.f32 [tilespmem:s19], [sflag:$0x4], $0x80, s29, s18, $0xb8;
	[tilespmem:$0x1E800] =	vst v63  }
0x27: {  	_ =	swait.ge [sflag:s16], $0x4000  }
0x28: {  	[sflag:s16] =	ssyncset.done $0x0  }
0x29: {  	s29 =	simm.s32 $0x14100;
	[sflag:s16] =	ssyncadd.s32 $0xFFFFC000  }
0x2a: {  	[tilespmem:s19], [sflag:$0x1] =	stream.indirect.gather [hbm4b:s4+s18], $0x80, s29, s18, $0xb8;
	[tilespmem:$0x1E800] =	vst v63  }
0x2b: {  	_ =	swait.ge [sflag:s24], $0x4000  }
0x2c: {  	[sflag:s24] =	ssyncset.done $0x0  }
0x2d: {  	s29 =	simm.s32 $0x15480;
	[sflag:s24] =	ssyncadd.s32 $0xFFFFC000  }
0x2e: {  	[spmem:s2] =	stream.indirect.scatter.add.f32 [tilespmem:s21], [sflag:$0x4], $0x80, s29, s18, $0xb8;
	[tilespmem:$0x1E800] =	vst v63  }
0x2f: {  	_ =	swait.ge [sflag:s16], $0x4000  }
0x30: {  	[sflag:s16] =	ssyncset.done $0x0  }
0x31: {  	s30 =	simm.s32 $0x14180;
	s29 =	simm.s32 $0x400;
	[sflag:s16] =	ssyncadd.s32 $0xFFFFC000  }
.LBB2_2:
0x32: {  	[tilespmem:s21], [sflag:$0x2] =	stream.indirect.gather [hbm4b:s4+s18], $0x80, s30, s18, $0xb8;
	[tilespmem:$0x1E800] =	vst v63  }
0x33: {  	s30 =	smov.u32 s29  }
0x34: {  	p0 =	sne.s32 s29, $0x4800;
	s29 =	sadd.s32 $0x400, s29;
	_ =	swait.ge [sflag:s23], $0x4000  }
0x35: {  	s30 =	sshra.s32 s30, $0x2;
	[sflag:s23] =	ssyncset.done $0x0  }
0x36: {  	s31 =	sadd.s32 $0x15400, s30;
	[sflag:s23] =	ssyncadd.s32 $0xFFFFC000  }
0x37: {  	[spmem:s2] =	stream.indirect.scatter.add.f32 [tilespmem:s19], [sflag:$0x4], $0x80, s31, s18, $0xb8;
	[tilespmem:$0x1E800] =	vst v63  }
0x38: {  	_ =	swait.ge [sflag:s16], $0x4000  }
0x39: {  	[sflag:s16] =	ssyncset.done $0x0  }
0x3a: {  	s31 =	sadd.s32 $0x14100, s30;
	[sflag:s16] =	ssyncadd.s32 $0xFFFFC000  }
0x3b: {  	[tilespmem:s19], [sflag:$0x1] =	stream.indirect.gather [hbm4b:s4+s18], $0x80, s31, s18, $0xb8;
	[tilespmem:$0x1E800] =	vst v63  }
0x3c: {  	_ =	swait.ge [sflag:s24], $0x4000  }
0x3d: {  	[sflag:s24] =	ssyncset.done $0x0  }
.Ltmp0:
0x3e: {  	s31 =	sadd.s32 $0x15480, s30;
	[sflag:s24] =	ssyncadd.s32 $0xFFFFC000;
	(pc) =	sbr.rel @p0 .LBB2_2-.Ltmp0, $4  }
0x3f: {  	[spmem:s2] =	stream.indirect.scatter.add.f32 [tilespmem:s21], [sflag:$0x4], $0x80, s31, s18, $0xb8;
	[tilespmem:$0x1E800] =	vst v63  }
0x40: {  	_ =	swait.ge [sflag:s16], $0x4000  }
0x41: {  	[sflag:s16] =	ssyncset.done $0x0  }
0x42: {  	s30 =	sadd.s32 $0x14180, s30;
	[sflag:s16] =	ssyncadd.s32 $0xFFFFC000  }
0x43: {  	[tilespmem:s21], [sflag:$0x2] =	stream.indirect.gather [hbm4b:s4+s18], $0x80, s30, s18, $0xb8;
	[tilespmem:$0x1E800] =	vst v63  }
0x44: {  	_ =	swait.ge [sflag:s23], $0x4000  }
0x45: {  	[sflag:s23] =	ssyncset.done $0x0  }
0x46: {  	[sflag:s23] =	ssyncadd.s32 $0xFFFFC000  }
0x47: {  	[spmem:s2] =	stream.indirect.scatter.add.f32 [tilespmem:s19], [sflag:$0x4], $0x80, s25, s18, $0xb8;
	[tilespmem:$0x1E800] =	vst v63  }
0x48: {  	_ =	swait.ge [sflag:s16], $0x4000  }
0x49: {  	[sflag:s16] =	ssyncset.done $0x0  }
0x4a: {  	[sflag:s16] =	ssyncadd.s32 $0xFFFFC000  }
0x4b: {  	_ =	swait.ge [sflag:s24], $0x4000  }
0x4c: {  	[sflag:s24] =	ssyncset.done $0x0  }
0x4d: {  	[sflag:s24] =	ssyncadd.s32 $0xFFFFC000  }
0x4e: {  	[spmem:s2] =	stream.indirect.scatter.add.f32 [tilespmem:s21], [sflag:$0x4], $0x80, s26, s18, $0xb8;
	[tilespmem:$0x1E800] =	vst v63  }
0x4f: {  	_ =	swait.ge [sflag:s16], $0x4000  }
0x50: {  	[sflag:s16] =	ssyncset.done $0x0  }
0x51: {  	s29 =	simm.s32 $0x0;
	[sflag:s16] =	ssyncadd.s32 $0xFFFFC000  }
0x52: {  	[tilespmem:s15], [sflag:$0x4] =	stream.linear.gather [hbm4b:s10+s29], $0x1400, $0x38;
	[tilespmem:$0x1E800] =	vst v63  }
0x53: {  	_ =	swait.ge [sflag:s16], $0x1400  }
0x54: {  	[sflag:s16] =	ssyncset.done $0x0  }
0x55: {  	[sflag:s16] =	ssyncadd.s32 $0xFFFFEC00  }
0x56: {  	[tilespmem:s17], [sflag:$0x4] =	stream.linear.gather [hbm4b:s11+s29], $0x1400, $0x38;
	[tilespmem:$0x1E800] =	vst v63  }
0x57: {  	_ =	swait.ge [sflag:s16], $0x1400  }
0x58: {  	[sflag:s16] =	ssyncset.done $0x0  }
0x59: {  	[sflag:s16] =	ssyncadd.s32 $0xFFFFEC00  }
0x5a: {  	[tilespmem:s19], [sflag:$0x1] =	stream.indirect.gather [hbm4b:s4+s18], $0x80, s15, s18, $0xb8;
	[tilespmem:$0x1E800] =	vst v63  }
0x5b: {  	_ = 	snop  }
0x5c: {  	[tilespmem:s21], [sflag:$0x2] =	stream.indirect.gather [hbm4b:s4+s18], $0x80, s20, s18, $0xb8;
	[tilespmem:$0x1E800] =	vst v63  }
0x5d: {  	_ =	swait.ge [sflag:s23], $0x4000  }
0x5e: {  	[sflag:s23] =	ssyncset.done $0x0  }
0x5f: {  	s29 =	simm.s32 $0x15400;
	[sflag:s23] =	ssyncadd.s32 $0xFFFFC000  }
0x60: {  	[spmem:s2] =	stream.indirect.scatter.add.f32 [tilespmem:s19], [sflag:$0x4], $0x80, s29, s18, $0xb8;
	[tilespmem:$0x1E800] =	vst v63  }
0x61: {  	_ =	swait.ge [sflag:s16], $0x4000  }
0x62: {  	[sflag:s16] =	ssyncset.done $0x0  }
0x63: {  	s29 =	simm.s32 $0x14100;
	[sflag:s16] =	ssyncadd.s32 $0xFFFFC000  }
0x64: {  	[tilespmem:s19], [sflag:$0x1] =	stream.indirect.gather [hbm4b:s4+s18], $0x80, s29, s18, $0xb8;
	[tilespmem:$0x1E800] =	vst v63  }
0x65: {  	_ =	swait.ge [sflag:s24], $0x4000  }
0x66: {  	[sflag:s24] =	ssyncset.done $0x0  }
0x67: {  	s29 =	simm.s32 $0x15480;
	[sflag:s24] =	ssyncadd.s32 $0xFFFFC000  }
0x68: {  	[spmem:s2] =	stream.indirect.scatter.add.f32 [tilespmem:s21], [sflag:$0x4], $0x80, s29, s18, $0xb8;
	[tilespmem:$0x1E800] =	vst v63  }
0x69: {  	_ =	swait.ge [sflag:s16], $0x4000  }
0x6a: {  	[sflag:s16] =	ssyncset.done $0x0  }
0x6b: {  	s30 =	simm.s32 $0x14180;
	s29 =	simm.s32 $0x400;
	[sflag:s16] =	ssyncadd.s32 $0xFFFFC000  }
.LBB2_4:
0x6c: {  	[tilespmem:s21], [sflag:$0x2] =	stream.indirect.gather [hbm4b:s4+s18], $0x80, s30, s18, $0xb8;
	[tilespmem:$0x1E800] =	vst v63  }
0x6d: {  	s30 =	smov.u32 s29  }
0x6e: {  	p0 =	sne.s32 s29, $0x4800;
	s29 =	sadd.s32 $0x400, s29;
	_ =	swait.ge [sflag:s23], $0x4000  }
0x6f: {  	s30 =	sshra.s32 s30, $0x2;
	[sflag:s23] =	ssyncset.done $0x0  }
0x70: {  	s31 =	sadd.s32 $0x15400, s30;
	[sflag:s23] =	ssyncadd.s32 $0xFFFFC000  }
0x71: {  	[spmem:s2] =	stream.indirect.scatter.add.f32 [tilespmem:s19], [sflag:$0x4], $0x80, s31, s18, $0xb8;
	[tilespmem:$0x1E800] =	vst v63  }
0x72: {  	_ =	swait.ge [sflag:s16], $0x4000  }
0x73: {  	[sflag:s16] =	ssyncset.done $0x0  }
0x74: {  	s31 =	sadd.s32 $0x14100, s30;
	[sflag:s16] =	ssyncadd.s32 $0xFFFFC000  }
0x75: {  	[tilespmem:s19], [sflag:$0x1] =	stream.indirect.gather [hbm4b:s4+s18], $0x80, s31, s18, $0xb8;
	[tilespmem:$0x1E800] =	vst v63  }
0x76: {  	_ =	swait.ge [sflag:s24], $0x4000  }
0x77: {  	[sflag:s24] =	ssyncset.done $0x0  }
.Ltmp1:
0x78: {  	s31 =	sadd.s32 $0x15480, s30;
	[sflag:s24] =	ssyncadd.s32 $0xFFFFC000;
	(pc) =	sbr.rel @p0 .LBB2_4-.Ltmp1, $4  }
0x79: {  	[spmem:s2] =	stream.indirect.scatter.add.f32 [tilespmem:s21], [sflag:$0x4], $0x80, s31, s18, $0xb8;
	[tilespmem:$0x1E800] =	vst v63  }
0x7a: {  	_ =	swait.ge [sflag:s16], $0x4000  }
0x7b: {  	[sflag:s16] =	ssyncset.done $0x0  }
0x7c: {  	s30 =	sadd.s32 $0x14180, s30;
	[sflag:s16] =	ssyncadd.s32 $0xFFFFC000  }
0x7d: {  	[tilespmem:s21], [sflag:$0x2] =	stream.indirect.gather [hbm4b:s4+s18], $0x80, s30, s18, $0xb8;
	[tilespmem:$0x1E800] =	vst v63  }
0x7e: {  	_ =	swait.ge [sflag:s23], $0x4000  }
0x7f: {  	[sflag:s23] =	ssyncset.done $0x0  }
0x80: {  	[sflag:s23] =	ssyncadd.s32 $0xFFFFC000  }
0x81: {  	[spmem:s2] =	stream.indirect.scatter.add.f32 [tilespmem:s19], [sflag:$0x4], $0x80, s25, s18, $0xb8;
	[tilespmem:$0x1E800] =	vst v63  }
0x82: {  	_ =	swait.ge [sflag:s16], $0x4000  }
0x83: {  	[sflag:s16] =	ssyncset.done $0x0  }
0x84: {  	[sflag:s16] =	ssyncadd.s32 $0xFFFFC000  }
0x85: {  	_ =	swait.ge [sflag:s24], $0x4000  }
0x86: {  	[sflag:s24] =	ssyncset.done $0x0  }
0x87: {  	[sflag:s24] =	ssyncadd.s32 $0xFFFFC000  }
0x88: {  	[spmem:s2] =	stream.indirect.scatter.add.f32 [tilespmem:s21], [sflag:$0x4], $0x80, s26, s18, $0xb8;
	[tilespmem:$0x1E800] =	vst v63  }
0x89: {  	_ =	swait.ge [sflag:s16], $0x4000  }
0x8a: {  	s28 =	sadd.s32 $0x1, s28;
	[sflag:s16] =	ssyncset.done $0x0  }
0x8b: {  	p0 =	sne.s32 s28, s13;
	[sflag:s16] =	ssyncadd.s32 $0xFFFFC000  }
.Ltmp2:
0x8c: {  	s29 =	sor.u32 $0x1C04, s6;
	[bflag:$0x0] =	sbarrier.arrive $0xFFFF;
	(pc) =	sbr.rel @p0 .LBB2_1-.Ltmp2, $4  }
0x8d: {  	[hbm:s12], [sflag:s29] =	dma.local [spmem:s14], $0x2800  }
0x8e: {  	_ =	swait.ge [sflag:s16], $0x2800  }
0x8f: {  	[sflag:s16] =	ssyncset.done $0x0  }
0x90: {  	[sflag:s16] =	ssyncadd.s32 $0xFFFFD800  }
0x91: {  	_ =	sfence.sel $0x180000  }
0x92: {  	[bflag:$0x0] =	sbarrier.arrive $0xFFFF  }
0x93: {  	p0 =	sne.s32 s0, $0x0;
	_ =	strace $0x9000004A  }
0x94: {  	s0 =	sadd.s32 @!p0 $0x100000, s1;
	[bflag:$0x2] =	sbarrier.arrive $0xFFFF  }
0x95: {  	[sflag:s0] =	ssyncadd.tile.s32 @!p0 $0x1;
	_ =	shalt  }
.Lfunc_end2:
_tile_overlayer_lowered:
.L_overlay_start_2:
0x96: {  	(tag) =	ssettag $0x2  }
0x97: {  	s0 =	rddreg [dreg:$0x0];
	s2 =	stileid.u32  }
0x98: {  	s1 =	rddreg [dreg:$0x1];
	p0 =	sne.s32 s2, $0x0  }
0x99: {  	s3 =	rddreg [dreg:$0x2];
	[bflag:$0x3] =	sbarrier.arrive $0xFFFF;
	s2 =	simm.s32 @!p0 $0x1C04  }
0x9a: {  	[timem:s3], [sflag:s2] =	dma.local @!p0 [hbm:s0], s1  }
0x9b: {  	s0 =	simm.s32 @!p0 $0x4  }
0x9c: {  	_ =	swait.ge @!p0 [sflag:s0], s1  }
0x9d: {  	s1 =	ssub.s32 @!p0 $0x0, s1;
	[sflag:s0] =	ssyncset.done @!p0 $0x0  }
0x9e: {  	[sflag:s0] =	ssyncadd.s32 @!p0 s1  }
0x9f: {  	[bflag:$0x3] =	sbarrier.arrive $0xFFFF  }
0xa0: {  	_ =	shalt  }

// kernel: kernel.7.cloned.1.call-start
scs
__scs_entry_jumppad:
0x0: {  	(pc) =	sbr.rel $0x88, $3  }
0x1: {  	(tag) =	ssettag $0x0;
	lr =	simm.s32 $0x1  }
0x2: {  	[smem:$0x3F96] =	sst lr;
	_ =	strace $0xD0000000  }
0x3: {  	_ = 	snop  }
0x4: {  	_ = 	snop  }
0x5: {  	_ = 	snop  }
0x6: {  	_ = 	snop  }
0x7: {  	_ = 	snop  }
__scs_overlays_trampoline_lowered:
0x8: {  	[smem:$0x3FA5] =	sst s0  }
0x9: {  	[smem:$0x3FA6] =	sst s1  }
0xa: {  	[smem:$0x3FA7] =	sst s2  }
0xb: {  	[smem:$0x3FA8] =	sst s3  }
0xc: {  	[smem:$0x3FA9] =	sst s4  }
0xd: {  	[smem:$0x3FAA] =	sst s5  }
0xe: {  	[smem:$0x3FAB] =	sst s6  }
0xf: {  	[smem:$0x3FAC] =	sst s7  }
0x10: {  	[smem:$0x3FAD] =	sst s8  }
0x11: {  	[smem:$0x3FAE] =	sst s9;
	s0 =	simm.s32 @!p0 $0x0  }
0x12: {  	s1 =	sld [smem:$0x3F94];
	s0 =	simm.s32 @p0 $0x1  }
0x13: {  	[smem:$0x3FAF] =	sst s0;
	s0 =	simm.s32 @!p1 $0x0  }
0x14: {  	s2 =	sld [smem:$0x3F93];
	s0 =	simm.s32 @p1 $0x1  }
0x15: {  	[smem:$0x3FB0] =	sst s0;
	s0 =	simm.s32 @!p2 $0x0  }
0x16: {  	s3 =	sld [smem:$0x3FDB];
	s0 =	simm.s32 @p2 $0x1  }
0x17: {  	s4 =	simm.s32 $0x1BF5;
	[smem:$0x3FB2] =	sst s0  }
0x18: {  	s0 =	sld [smem:$0x3F95];
	_ =	swait.ge [sflag:s4], $0x0  }
0x19: {  	s7 =	sld [smem:$0x3F96]  }
0x1a: {  	s8 =	sadd.s32 $0xFFFFE003, lr  }
0x1b: {  	s9 =	sadd.s32 $0xFFFFFEF7, lr;
	s5 =	simm.s32 $0xFFFFFFFF;
	p2 =	slt.u32 s8, $0xFFFFF086  }
0x1c: {  	p1 =	slt.u32 s9, $0xF7A;
	s5 =	simm.s32 @!p2 $0x0  }
0x1d: {  	s5 =	simm.s32 @p1 $0x1;
	p0 =	seq.s32 s7, s2  }
0x1e: {  	s7 =	smul.u32 @!p0 $0xF7A, s2;
	p2 =	seq.s32 @!p0 s5, $0x0  }
0x1f: {  	s9 =	smul.u32 $0xF7A, s1;
	s8 =	simm.s32 @!p0 $0x1BF5;
	p2 =	por !p2, p0  }
0x20: {  	[sflag:s8] =	ssyncset.s32 @!p0 $0xFFFFF086;
	s6 =	sadd.s32 @!p0 s3, s7;
	s7 =	simm.s32 @!p0 $0x108  }
0x21: {  	s3 =	sadd.s32 s3, s9;
	s6 =	sadd.s32 @!p0 $0x88, s6;
	s7 =	simm.s32 @p2 $0x1082  }
0x22: {  	[simem:s7], [sflag:s8] =	dma.local @!p0 [hbm:s6], $0xF7A  }
0x23: {  	s9 =	sor.u32 $0xD0000000, s2;
	s6 =	simm.s32 $0x108;
	_ =	swait.ge @!p0 [sflag:s8], $0x0  }
0x24: {  	s3 =	sadd.s32 $0x88, s3;
	s6 =	simm.s32 @!p1 $0x1082;
	[sflag:s4] =	ssyncset.s32 $0xFFFFF086  }
0x25: {  	[simem:s6], [sflag:s4] =	dma.local [hbm:s3], $0xF7A  }
0x26: {  	[smem:$0x3F96] =	sst s1;
	(tag) =	ssettag s2;
	_ =	strace s9  }
0x27: {  	s1 =	sld [smem:$0x3FA6]  }
0x28: {  	s2 =	sld [smem:$0x3FA7]  }
0x29: {  	s4 =	sld [smem:$0x3FA9]  }
0x2a: {  	p0 =	seq.s32 s5, $0x0;
	s5 =	sld [smem:$0x3FAA]  }
0x2b: {  	s6 =	sld [smem:$0x3FAB]  }
0x2c: {  	s7 =	sld [smem:$0x3FAC]  }
0x2d: {  	s3 =	simm.s32 $0x108;
	s8 =	sld [smem:$0x3FAD]  }
0x2e: {  	s3 =	simm.s32 @!p0 $0x1082;
	s9 =	sld [smem:$0x3FAE]  }
0x2f: {  	lr =	sadd.s32 s0, s3;
	s0 =	sld [smem:$0x3FA5]  }
0x30: {  	s3 =	sld [smem:$0x3FA8]  }
0x31: {  	[smem:$0x3FB1] =	sst s10  }
0x32: {  	s10 =	sld [smem:$0x3FAF];
	_ =	sdelay $0x3  }
0x33: {  	p0 =	seq.s32 s10, $0x1;
	s10 =	sld [smem:$0x3FB1];
	_ =	sdelay $0x3  }
0x34: {  	[smem:$0x3FB1] =	sst s10  }
0x35: {  	s10 =	sld [smem:$0x3FB0];
	_ =	sdelay $0x3  }
0x36: {  	p1 =	seq.s32 s10, $0x1;
	s10 =	sld [smem:$0x3FB1];
	_ =	sdelay $0x3  }
0x37: {  	[smem:$0x3FB1] =	sst s10  }
0x38: {  	s10 =	sld [smem:$0x3FB2]  }
0x39: {  	_ = 	snop;
	(pc) =	sbr.ind lr, $3  }
0x3a: {  	_ = 	snop  }
0x3b: {  	_ = 	snop  }
0x3c: {  	p2 =	seq.s32 s10, $0x1;
	s10 =	sld [smem:$0x3FB1]  }
0x3d: {  	_ =	shalt  }
0x3e: {  	_ =	shalt  }
0x3f: {  	_ =	shalt  }
0x40: {  	_ =	shalt  }
0x41: {  	_ =	shalt  }
0x42: {  	_ =	shalt  }
0x43: {  	_ =	shalt  }
0x44: {  	_ =	shalt  }
0x45: {  	_ =	shalt  }
0x46: {  	_ =	shalt  }
0x47: {  	_ =	shalt  }
0x48: {  	_ =	shalt  }
0x49: {  	_ =	shalt  }
0x4a: {  	_ =	shalt  }
0x4b: {  	_ =	shalt  }
0x4c: {  	_ =	shalt  }
0x4d: {  	_ =	shalt  }
0x4e: {  	_ =	shalt  }
0x4f: {  	_ =	shalt  }
0x50: {  	_ =	shalt  }
0x51: {  	_ =	shalt  }
0x52: {  	_ =	shalt  }
0x53: {  	_ =	shalt  }
0x54: {  	_ =	shalt  }
0x55: {  	_ =	shalt  }
0x56: {  	_ =	shalt  }
0x57: {  	_ =	shalt  }
0x58: {  	_ =	shalt  }
0x59: {  	_ =	shalt  }
0x5a: {  	_ =	shalt  }
0x5b: {  	_ =	shalt  }
0x5c: {  	_ =	shalt  }
0x5d: {  	_ =	shalt  }
0x5e: {  	_ =	shalt  }
0x5f: {  	_ =	shalt  }
0x60: {  	_ =	shalt  }
0x61: {  	_ =	shalt  }
0x62: {  	_ =	shalt  }
0x63: {  	_ =	shalt  }
0x64: {  	_ =	shalt  }
0x65: {  	_ =	shalt  }
0x66: {  	_ =	shalt  }
0x67: {  	_ =	shalt  }
0x68: {  	_ =	shalt  }
0x69: {  	_ =	shalt  }
0x6a: {  	_ =	shalt  }
0x6b: {  	_ =	shalt  }
0x6c: {  	_ =	shalt  }
0x6d: {  	_ =	shalt  }
0x6e: {  	_ =	shalt  }
0x6f: {  	_ =	shalt  }
0x70: {  	_ =	shalt  }
0x71: {  	_ =	shalt  }
0x72: {  	_ =	shalt  }
0x73: {  	_ =	shalt  }
0x74: {  	_ =	shalt  }
0x75: {  	_ =	shalt  }
0x76: {  	_ =	shalt  }
0x77: {  	_ =	shalt  }
0x78: {  	_ =	shalt  }
0x79: {  	_ =	shalt  }
0x7a: {  	_ =	shalt  }
0x7b: {  	_ =	shalt  }
0x7c: {  	_ =	shalt  }
0x7d: {  	_ =	shalt  }
0x7e: {  	_ =	shalt  }
0x7f: {  	_ =	shalt  }
0x80: {  	_ =	shalt  }
0x81: {  	_ =	shalt  }
0x82: {  	_ =	shalt  }
0x83: {  	_ =	shalt  }
0x84: {  	_ =	shalt  }
0x85: {  	_ =	shalt  }
0x86: {  	_ =	shalt  }
0x87: {  	_ =	shalt  }
.Lfunc_end0:
.L_simem_size_0:
called_computation_lowered:
.L_overlay_start_0:
0x88: {  	s2 =	sld [smem:$0x3FD9]  }
0x89: {  	s3 =	sld [smem:$0x3FFE];
	_ =	sdelay $0x1  }
0x8a: {  	s1 =	srdreg.scid  }
0x8b: {  	s0 =	sand.u32 $0x1, s1  }
0x8c: {  	s16 =	sshll.u32 s0, $0xA;
	s2 =	sadd.s32 s3, s2  }
0x8d: {  	s2 =	sadd.s32 s2, s16  }
0x8e: {  	[smem:$0x3FBD] =	sst s2  }
0x8f: {  	_ = 	snop  }
0x90: {  	(tm) =	ssettm $0x1  }
0x91: {  	s17 =	sld [smem:$0x3FFB];
	_ =	sdelay $0x3  }
0x92: {  	_ =	strace s17  }
0x93: {  	s2 =	sld [smem:$0x3FFC];
	_ =	sdelay $0x3  }
0x94: {  	_ =	strace s2  }
0x95: {  	s2 =	sld [smem:$0x3FFD];
	_ =	sdelay $0x3  }
0x96: {  	_ =	strace s2  }
0x97: {  	_ =	strace $0x8FFFFFFF  }
0x98: {  	s18 =	sld [smem:$0x3FDB];
	_ =	sdelay $0x1  }
0x99: {  	s19 =	simm.s32 $_scs_section_size  }
0x9a: {  	s4 =	simm.s32 $_size__tile_overlayer_lowered;
	s5 =	simm.s32 $_tile_overlayer_lowered  }
0x9b: {  	s22 =	simm.s32 $0x1BFF;
	s21 =	sshll.u32 s5, $0x1;
	s2 =	sadd.s32 s19, s18  }
0x9c: {  	s6 =	simm.s32 $0x0;
	s20 =	sshll.u32 s4, $0x1;
	s4 =	sadd.s32 s21, s2  }
0x9d: {  	[timem:s6], [sflag:s22] =	dma.local [hbm:s4], s20  }
0x9e: {  	_ =	swait.ge [sflag:s22], s20  }
0x9f: {  	s3 =	ssub.s32 $0x0, s20;
	[sflag:s22] =	ssyncset.done $0x0  }
0xa0: {  	[sflag:s22] =	ssyncadd.s32 s3;
	_ =	sdelay $0x1  }
0xa1: {  	s23 =	simm.s32 $0x1B8B  }
0xa2: {  	_ =	swait.ge [sflag:s23], $0x1  }
0xa3: {  	[sflag:s23] =	ssyncset.done $0x0  }
0xa4: {  	s25 =	simm.s32 $0x1B8E;
	s24 =	sld [smem:$0x3FFE];
	[sflag:s23] =	ssyncadd.s32 $0xFFFFFFFF  }
0xa5: {  	s26 =	simm.s32 $execute0_lowered;
	[smem:$0x3FD2] =	sst s25  }
0xa6: {  	s4 =	sshll.u32 s26, $0x1;
	_ =	strace $0x80000046;
	[dreg:$0x1] =	wrdreg $0xFFFFFFFF  }
0xa7: {  	s28 =	simm.s32 $_size_execute0_lowered;
	s2 =	sadd.s32 s2, s4;
	[dreg:$0x0] =	wrdreg $0x0  }
0xa8: {  	s4 =	sshll.u32 s28, $0x1;
	[dreg:$0x2] =	wrdreg s2  }
0xa9: {  	[dreg:$0x3] =	wrdreg s4  }
0xaa: {  	[dreg:$0x4] =	wrdreg $0xC0  }
0xab: {  	_ =	task [dreg:s6], $0x5FFFF  }
0xac: {  	[dreg:$0x1] =	wrdreg $0xFFFFFFFF  }
0xad: {  	[dreg:$0x0] =	wrdreg $0x60  }
0xae: {  	[dreg:$0x2] =	wrdreg s24  }
0xaf: {  	[dreg:$0x3] =	wrdreg $0x0  }
0xb0: {  	[dreg:$0x4] =	wrdreg $0x1E8000  }
0xb1: {  	[dreg:$0x5] =	wrdreg $0x9  }
0xb2: {  	_ =	task.clear_ibuf [dreg:s6], $0x6FFFF;
	_ =	strace $0x90000046  }
0xb3: {  	s29 =	simm.s32 $0x9;
	_ =	strace $0x80000048  }
0xb4: {  	_ =	swait.ge [sflag:s29], $0x1  }
0xb5: {  	[sflag:s29] =	ssyncadd.s32 $0xFFFFFFFF  }
0xb6: {  	_ =	strace $0x90000048  }
0xb7: {  	_ =	sfence  }
0xb8: {  	s30 =	sld [smem:$0x0];
	_ =	sdelay $0x2  }
0xb9: {  	s31 =	sshll.u32 s1, $0xD;
	s1 =	sshrl.u32 s1, $0x2  }
0xba: {  	s3 =	sand.u32 $0x4000, s31;
	s1 =	sadd.s32 s1, s30  }
0xbb: {  	s0 =	sor.u32 s3, s0;
	s1 =	sshll.u32 s1, $0x11  }
0xbc: {  	s0 =	sor.u32 s1, s0  }
0xbd: {  	s0 =	sadd.s32 $0x8F2B, s0  }
0xbe: {  	[sflag:s0] =	ssyncadd.remote.s32 $0x1  }
0xbf: {  	_ =	sfence.sel $0xFFFF  }
0xc0: {  	[dreg:$0x0] =	wrdreg $0xFFFFFFFF;
	(pc) =	sbr.abs _section_cstart, $3  }
0xc1: {  	[dreg:$0x1] =	wrdreg $0xFFFFFFFF  }
0xc2: {  	_ =	task.clear_ibuf [dreg:s6], $0x2FFFF;
	_ =	strace $0x9FFFFFFF  }
0xc3: {  	(tm) =	ssettm $0x7FFFFFFF  }
tec
execute0_lowered:
.L_overlay_start_1:
0x0: {  	(tag) =	ssettag $0x1  }
0x1: {  	s1 =	rddreg [dreg:$0x0]  }
0x2: {  	s0 =	srdreg.scid;
	s2 =	rddreg [dreg:$0x1]  }
0x3: {  	s12 =	stileid.u32;
	s3 =	rddreg [dreg:$0x2];
	s5 =	simm.s32 $0x0  }
0x4: {  	s28 =	simm.s32 $0x3;
	s29 =	simm.s32 $0x4;
	s6 =	smul.u32 $0x14000, s12  }
0x5: {  	s30 =	simm.s32 $0x1;
	s31 =	simm.s32 $0x1EA80;
	s7 =	smul.u32 $0x280, s12  }
0x6: {  	s0 =	sand.u32 $0x1, s0;
	[smem:$0x7FF] =	sst s5;
	s10 =	smul.u32 $0x500, s12  }
0x7: {  	s5 =	sadd.s32 $0x16400, s1;
	s20 =	smul.u32 $0x50000, s12;
	s4 =	sshll.u32 s0, $0x4  }
0x8: {  	_ =	strace $0x80000047;
	s9 =	smul.u32 $0x140000, s0;
	s19 =	sshll.u32 s0, $0x7  }
0x9: {  	s0 =	ssub.s32 $0x2, s0;
	s4 =	sor.u32 s12, s4;
	s8 =	sshrl.u32 s6, $0x3  }
0xa: {  	s11 =	sshrl.u32 s7, $0x3;
	s21 =	sshrl.u32 s0, $0x1;
	s22 =	sshrl.u32 s20, $0x2  }
0xb: {  	s7 =	sadd.s32 s7, s3;
	s20 =	simm.s32 $0x14000;
	s4 =	smul.u32 $0x2800, s4  }
0xc: {  	s8 =	sadd.s32 s8, s1;
	s6 =	sadd.s32 s6, s9;
	s11 =	sadd.s32 s11, s1  }
0xd: {  	s9 =	sor.u32 s19, s10;
	s0 =	ssub.s32 s0, s21;
	s19 =	sshrl.u32 s7, $0x3  }
0xe: {  	s21 =	simm.s32 $0x6;
	s7 =	simm.s32 $0x5;
	s6 =	sshrl.u32 s6, $0x3  }
0xf: {  	s9 =	sshrl.u32 s9, $0x3;
	s8 =	sadd.s32 $0x3D600, s8;
	s24 =	sadd.s32 $0x65600, s11  }
0x10: {  	s16 =	smax.u32 s0, $0x1;
	s0 =	simm.s32 $0x16700;
	s4 =	sshrl.u32 s4, $0x3  }
0x11: {  	s14 =	sadd.s32 s6, s1;
	s6 =	sshll.u32 s12, $0x6;
	[dreg:$0x4] =	wrdreg s8  }
0x12: {  	[dreg:$0x6] =	wrdreg s24;
	s24 =	simm.s32 $0x16800;
	s8 =	simm.s32 $0x0  }
0x13: {  	s4 =	sadd.s32 s4, s1;
	s1 =	sadd.s32 s9, s1;
	s9 =	sadd.s32 s22, s2  }
0x14: {  	s23 =	sor.u32 $0x1C03, s6;
	s14 =	sadd.s32 $0x66600, s14;
	s18 =	sor.u32 $0x1C04, s6  }
0x15: {  	s22 =	simm.s32 $0x15400;
	[dreg:$0x5] =	wrdreg s23;
	s25 =	sadd.s32 $0x2400, s4  }
0x16: {  	s26 =	sadd.s32 $0xC400, s4;
	s12 =	sadd.s32 $0x2680, s4;
	s13 =	sadd.s32 $0xC680, s4  }
0x17: {  	s15 =	sadd.s32 $0x65C00, s1;
	s17 =	sshrl.u32 s9, $0x3;
	s23 =	simm.s32 $0x80  }
0x18: {  	s1 =	simm.s32 $0x2;
	s4 =	simm.s32 $0x16780;
	[dreg:$0x7] =	wrdreg s25  }
0x19: {  	v0 =	vimm.f32 $1.000000000e+00;
	[dreg:$0x8] =	wrdreg s26;
	s25 =	simm.s32 $0x14080;
	s26 =	simm.s32 $0x1A800  }
.LBB2_1:
0x1a: {  	s9 =	rddreg [dreg:$0x4]  }
0x1b: {  	s10 =	rddreg [dreg:$0x5]  }
0x1c: {  	[spmem:s17], [sflag:s10] =	dma.local [hbm:s9], $0x2800  }
0x1d: {  	s9 =	rddreg [dreg:$0x6]  }
0x1e: {  	[spmem:s19], [sflag:s18] =	dma.local [hbm:s9], $0x50;
	[tilespmem:$0x1EA80] =	vst v0  }
0x1f: {  	[tilespmem:$0x1EA90] =	vst v0  }
0x20: {  	[tilespmem:$0x1EAA0] =	vst v0  }
0x21: {  	[tilespmem:$0x1EAB0] =	vst v0  }
0x22: {  	[tilespmem:$0x1EAC0] =	vst v0  }
0x23: {  	[tilespmem:$0x1EAD0] =	vst v0  }
0x24: {  	[tilespmem:$0x1EAE0] =	vst v0  }
0x25: {  	[tilespmem:$0x1EAF0] =	vst v0;
	s9 =	simm.s32 $0x0;
	s11 =	rddreg [dreg:$0x7]  }
0x26: {  	[tilespmem:s20], [sflag:$0x6] =	stream.linear.gather [hbm4b:s11+s9], $0x1400, $0x38;
	[tilespmem:$0x1EB00] =	vst v63  }
0x27: {  	_ =	swait.ge [sflag:s21], $0x1400  }
0x28: {  	[sflag:s21] =	ssyncset.done $0x0  }
0x29: {  	s11 =	rddreg [dreg:$0x8];
	[sflag:s21] =	ssyncadd.s32 $0xFFFFEC00  }
0x2a: {  	[tilespmem:s22], [sflag:$0x6] =	stream.linear.gather [hbm4b:s11+s9], $0x1400, $0x38;
	[tilespmem:$0x1EB00] =	vst v63  }
0x2b: {  	_ =	swait.ge [sflag:s21], $0x1400  }
0x2c: {  	[sflag:s21] =	ssyncset.done $0x0  }
0x2d: {  	[sflag:s21] =	ssyncadd.s32 $0xFFFFEC00  }
0x2e: {  	[tilespmem:s24], [sflag:$0x1] =	stream.indirect.gather [hbm4b:s5+s23], $0x80, s20, s23, $0xb8;
	[tilespmem:$0x1EB00] =	vst v63  }
0x2f: {  	_ = 	snop  }
0x30: {  	[tilespmem:s26], [sflag:$0x2] =	stream.indirect.gather [hbm4b:s5+s23], $0x80, s25, s23, $0xb8;
	[tilespmem:$0x1EB00] =	vst v63  }
0x31: {  	_ =	swait.ge [sflag:s28], $0x2800  }
0x32: {  	[sflag:s28] =	ssyncset.done $0x0  }
0x33: {  	[sflag:s28] =	ssyncadd.s32 $0xFFFFD800  }
0x34: {  	_ =	swait.ge [sflag:s29], $0x50  }
0x35: {  	[sflag:s29] =	ssyncset.done $0x0  }
0x36: {  	[sflag:s29] =	ssyncadd.s32 $0xFFFFFFB0  }
0x37: {  	[bflag:$0x0] =	sbarrier.arrive $0xFFFF  }
0x38: {  	_ =	swait.ge [sflag:s30], $0x4000  }
0x39: {  	[sflag:s30] =	ssyncset.done $0x0  }
0x3a: {  	s11 =	simm.s32 $0x15400;
	[sflag:s30] =	ssyncadd.s32 $0xFFFFC000  }
0x3b: {  	[spmem:s3] =	stream.indirect.scatter.add.f32 [tilespmem:s31], [sflag:$0x5], $0x1, s11, s23, $0xb8;
	[tilespmem:$0x1EB00] =	vst v63  }
0x3c: {  	_ = 	snop  }
0x3d: {  	[spmem:s2] =	stream.indirect.scatter.add.f32 [tilespmem:s24], [sflag:$0x6], $0x80, s11, s23, $0xb8;
	[tilespmem:$0x1EB00] =	vst v63  }
0x3e: {  	_ =	swait.ge [sflag:s21], $0x4000  }
0x3f: {  	[sflag:s21] =	ssyncset.done $0x0  }
0x40: {  	s10 =	simm.s32 $0x14100;
	[sflag:s21] =	ssyncadd.s32 $0xFFFFC000  }
0x41: {  	[tilespmem:s24], [sflag:$0x1] =	stream.indirect.gather [hbm4b:s5+s23], $0x80, s10, s23, $0xb8;
	[tilespmem:$0x1EB00] =	vst v63  }
0x42: {  	_ =	swait.ge [sflag:s1], $0x4000  }
0x43: {  	[sflag:s1] =	ssyncset.done $0x0  }
0x44: {  	s11 =	simm.s32 $0x15480;
	[sflag:s1] =	ssyncadd.s32 $0xFFFFC000  }
0x45: {  	[spmem:s3] =	stream.indirect.scatter.add.f32 [tilespmem:s31], [sflag:$0x5], $0x1, s11, s23, $0xb8;
	[tilespmem:$0x1EB00] =	vst v63  }
0x46: {  	_ = 	snop  }
0x47: {  	[spmem:s2] =	stream.indirect.scatter.add.f32 [tilespmem:s26], [sflag:$0x6], $0x80, s11, s23, $0xb8;
	[tilespmem:$0x1EB00] =	vst v63  }
0x48: {  	_ =	swait.ge [sflag:s21], $0x4000  }
0x49: {  	[sflag:s21] =	ssyncset.done $0x0  }
0x4a: {  	s9 =	simm.s32 $0x400;
	s10 =	simm.s32 $0x14180;
	[sflag:s21] =	ssyncadd.s32 $0xFFFFC000  }
.LBB2_2:
0x4b: {  	[tilespmem:s26], [sflag:$0x2] =	stream.indirect.gather [hbm4b:s5+s23], $0x80, s10, s23, $0xb8;
	[tilespmem:$0x1EB00] =	vst v63  }
0x4c: {  	s10 =	smov.u32 s9  }
0x4d: {  	p0 =	sne.s32 s9, $0x4800;
	s9 =	sadd.s32 $0x400, s9;
	_ =	swait.ge [sflag:s30], $0x4000  }
0x4e: {  	s10 =	sshra.s32 s10, $0x2;
	[sflag:s30] =	ssyncset.done $0x0  }
0x4f: {  	s11 =	sadd.s32 $0x15400, s10;
	[sflag:s30] =	ssyncadd.s32 $0xFFFFC000  }
0x50: {  	[spmem:s3] =	stream.indirect.scatter.add.f32 [tilespmem:s31], [sflag:$0x5], $0x1, s11, s23, $0xb8;
	[tilespmem:$0x1EB00] =	vst v63  }
0x51: {  	_ = 	snop  }
0x52: {  	[spmem:s2] =	stream.indirect.scatter.add.f32 [tilespmem:s24], [sflag:$0x6], $0x80, s11, s23, $0xb8;
	[tilespmem:$0x1EB00] =	vst v63  }
0x53: {  	_ =	swait.ge [sflag:s21], $0x4000  }
0x54: {  	[sflag:s21] =	ssyncset.done $0x0  }
0x55: {  	s11 =	sadd.s32 $0x14100, s10;
	[sflag:s21] =	ssyncadd.s32 $0xFFFFC000  }
0x56: {  	[tilespmem:s24], [sflag:$0x1] =	stream.indirect.gather [hbm4b:s5+s23], $0x80, s11, s23, $0xb8;
	[tilespmem:$0x1EB00] =	vst v63  }
0x57: {  	_ =	swait.ge [sflag:s1], $0x4000  }
0x58: {  	[sflag:s1] =	ssyncset.done $0x0  }
0x59: {  	s11 =	sadd.s32 $0x15480, s10;
	[sflag:s1] =	ssyncadd.s32 $0xFFFFC000  }
0x5a: {  	[spmem:s3] =	stream.indirect.scatter.add.f32 [tilespmem:s31], [sflag:$0x5], $0x1, s11, s23, $0xb8;
	[tilespmem:$0x1EB00] =	vst v63  }
.Ltmp0:
0x5b: {  	(pc) =	sbr.rel @p0 .LBB2_2-.Ltmp0, $4  }
0x5c: {  	[spmem:s2] =	stream.indirect.scatter.add.f32 [tilespmem:s26], [sflag:$0x6], $0x80, s11, s23, $0xb8;
	[tilespmem:$0x1EB00] =	vst v63  }
0x5d: {  	_ =	swait.ge [sflag:s21], $0x4000  }
0x5e: {  	[sflag:s21] =	ssyncset.done $0x0  }
0x5f: {  	s10 =	sadd.s32 $0x14180, s10;
	[sflag:s21] =	ssyncadd.s32 $0xFFFFC000  }
0x60: {  	[tilespmem:s26], [sflag:$0x2] =	stream.indirect.gather [hbm4b:s5+s23], $0x80, s10, s23, $0xb8;
	[tilespmem:$0x1EB00] =	vst v63  }
0x61: {  	_ =	swait.ge [sflag:s30], $0x4000  }
0x62: {  	[sflag:s30] =	ssyncset.done $0x0  }
0x63: {  	[sflag:s30] =	ssyncadd.s32 $0xFFFFC000  }
0x64: {  	[spmem:s3] =	stream.indirect.scatter.add.f32 [tilespmem:s31], [sflag:$0x5], $0x1, s0, s23, $0xb8;
	[tilespmem:$0x1EB00] =	vst v63  }
0x65: {  	_ = 	snop  }
0x66: {  	[spmem:s2] =	stream.indirect.scatter.add.f32 [tilespmem:s24], [sflag:$0x6], $0x80, s0, s23, $0xb8;
	[tilespmem:$0x1EB00] =	vst v63  }
0x67: {  	_ =	swait.ge [sflag:s21], $0x4000  }
0x68: {  	[sflag:s21] =	ssyncset.done $0x0  }
0x69: {  	[sflag:s21] =	ssyncadd.s32 $0xFFFFC000  }
0x6a: {  	_ =	swait.ge [sflag:s1], $0x4000  }
0x6b: {  	[sflag:s1] =	ssyncset.done $0x0  }
0x6c: {  	[sflag:s1] =	ssyncadd.s32 $0xFFFFC000  }
0x6d: {  	[spmem:s3] =	stream.indirect.scatter.add.f32 [tilespmem:s31], [sflag:$0x5], $0x1, s4, s23, $0xb8;
	[tilespmem:$0x1EB00] =	vst v63  }
0x6e: {  	_ = 	snop  }
0x6f: {  	[spmem:s2] =	stream.indirect.scatter.add.f32 [tilespmem:s26], [sflag:$0x6], $0x80, s4, s23, $0xb8;
	[tilespmem:$0x1EB00] =	vst v63  }
0x70: {  	_ =	swait.ge [sflag:s21], $0x4000  }
0x71: {  	[sflag:s21] =	ssyncset.done $0x0  }
0x72: {  	[sflag:s21] =	ssyncadd.s32 $0xFFFFC000  }
0x73: {  	_ =	swait.ge [sflag:s7], $0x80  }
0x74: {  	s9 =	simm.s32 $0x27;
	[sflag:s7] =	ssyncset.done $0x0  }
.LBB2_4:
0x75: {  	p0 =	sne.s32 s9, $0x1;
	s9 =	sadd.s32 $0xFFFFFFFF, s9;
	[sflag:s7] =	ssyncadd.s32 $0xFFFFFF80  }
.Ltmp1:
0x76: {  	(pc) =	sbr.rel @p0 .LBB2_4-.Ltmp1, $3  }
0x77: {  	_ =	sdelay $0x1  }
0x78: {  	_ =	swait.ge [sflag:s7], $0x80  }
0x79: {  	[sflag:s7] =	ssyncset.done $0x0  }
0x7a: {  	[sflag:s7] =	ssyncadd.s32 $0xFFFFFF80;
	s9 =	simm.s32 $0x0  }
0x7b: {  	[tilespmem:s20], [sflag:$0x6] =	stream.linear.gather [hbm4b:s12+s9], $0x1400, $0x38;
	[tilespmem:$0x1EB00] =	vst v63  }
0x7c: {  	_ =	swait.ge [sflag:s21], $0x1400  }
0x7d: {  	[sflag:s21] =	ssyncset.done $0x0  }
0x7e: {  	[sflag:s21] =	ssyncadd.s32 $0xFFFFEC00  }
0x7f: {  	[tilespmem:s22], [sflag:$0x6] =	stream.linear.gather [hbm4b:s13+s9], $0x1400, $0x38;
	[tilespmem:$0x1EB00] =	vst v63  }
0x80: {  	_ =	swait.ge [sflag:s21], $0x1400  }
0x81: {  	[sflag:s21] =	ssyncset.done $0x0  }
0x82: {  	[sflag:s21] =	ssyncadd.s32 $0xFFFFEC00  }
0x83: {  	[tilespmem:s24], [sflag:$0x1] =	stream.indirect.gather [hbm4b:s5+s23], $0x80, s20, s23, $0xb8;
	[tilespmem:$0x1EB00] =	vst v63  }
0x84: {  	_ = 	snop  }
0x85: {  	[tilespmem:s26], [sflag:$0x2] =	stream.indirect.gather [hbm4b:s5+s23], $0x80, s25, s23, $0xb8;
	[tilespmem:$0x1EB00] =	vst v63  }
0x86: {  	_ =	swait.ge [sflag:s30], $0x4000  }
0x87: {  	[sflag:s30] =	ssyncset.done $0x0  }
0x88: {  	s11 =	simm.s32 $0x15400;
	[sflag:s30] =	ssyncadd.s32 $0xFFFFC000  }
0x89: {  	[spmem:s3] =	stream.indirect.scatter.add.f32 [tilespmem:s31], [sflag:$0x5], $0x1, s11, s23, $0xb8;
	[tilespmem:$0x1EB00] =	vst v63  }
0x8a: {  	_ = 	snop  }
0x8b: {  	[spmem:s2] =	stream.indirect.scatter.add.f32 [tilespmem:s24], [sflag:$0x6], $0x80, s11, s23, $0xb8;
	[tilespmem:$0x1EB00] =	vst v63  }
0x8c: {  	_ =	swait.ge [sflag:s21], $0x4000  }
0x8d: {  	[sflag:s21] =	ssyncset.done $0x0  }
0x8e: {  	s10 =	simm.s32 $0x14100;
	[sflag:s21] =	ssyncadd.s32 $0xFFFFC000  }
0x8f: {  	[tilespmem:s24], [sflag:$0x1] =	stream.indirect.gather [hbm4b:s5+s23], $0x80, s10, s23, $0xb8;
	[tilespmem:$0x1EB00] =	vst v63  }
0x90: {  	_ =	swait.ge [sflag:s1], $0x4000  }
0x91: {  	[sflag:s1] =	ssyncset.done $0x0  }
0x92: {  	s11 =	simm.s32 $0x15480;
	[sflag:s1] =	ssyncadd.s32 $0xFFFFC000  }
0x93: {  	[spmem:s3] =	stream.indirect.scatter.add.f32 [tilespmem:s31], [sflag:$0x5], $0x1, s11, s23, $0xb8;
	[tilespmem:$0x1EB00] =	vst v63  }
0x94: {  	_ = 	snop  }
0x95: {  	[spmem:s2] =	stream.indirect.scatter.add.f32 [tilespmem:s26], [sflag:$0x6], $0x80, s11, s23, $0xb8;
	[tilespmem:$0x1EB00] =	vst v63  }
0x96: {  	_ =	swait.ge [sflag:s21], $0x4000  }
0x97: {  	[sflag:s21] =	ssyncset.done $0x0  }
0x98: {  	s9 =	simm.s32 $0x400;
	s10 =	simm.s32 $0x14180;
	[sflag:s21] =	ssyncadd.s32 $0xFFFFC000  }
.LBB2_6:
0x99: {  	[tilespmem:s26], [sflag:$0x2] =	stream.indirect.gather [hbm4b:s5+s23], $0x80, s10, s23, $0xb8;
	[tilespmem:$0x1EB00] =	vst v63  }
0x9a: {  	s10 =	smov.u32 s9  }
0x9b: {  	p0 =	sne.s32 s9, $0x4800;
	s9 =	sadd.s32 $0x400, s9;
	_ =	swait.ge [sflag:s30], $0x4000  }
0x9c: {  	s10 =	sshra.s32 s10, $0x2;
	[sflag:s30] =	ssyncset.done $0x0  }
0x9d: {  	s11 =	sadd.s32 $0x15400, s10;
	[sflag:s30] =	ssyncadd.s32 $0xFFFFC000  }
0x9e: {  	[spmem:s3] =	stream.indirect.scatter.add.f32 [tilespmem:s31], [sflag:$0x5], $0x1, s11, s23, $0xb8;
	[tilespmem:$0x1EB00] =	vst v63  }
0x9f: {  	_ = 	snop  }
0xa0: {  	[spmem:s2] =	stream.indirect.scatter.add.f32 [tilespmem:s24], [sflag:$0x6], $0x80, s11, s23, $0xb8;
	[tilespmem:$0x1EB00] =	vst v63  }
0xa1: {  	_ =	swait.ge [sflag:s21], $0x4000  }
0xa2: {  	[sflag:s21] =	ssyncset.done $0x0  }
0xa3: {  	s11 =	sadd.s32 $0x14100, s10;
	[sflag:s21] =	ssyncadd.s32 $0xFFFFC000  }
0xa4: {  	[tilespmem:s24], [sflag:$0x1] =	stream.indirect.gather [hbm4b:s5+s23], $0x80, s11, s23, $0xb8;
	[tilespmem:$0x1EB00] =	vst v63  }
0xa5: {  	_ =	swait.ge [sflag:s1], $0x4000  }
0xa6: {  	[sflag:s1] =	ssyncset.done $0x0  }
0xa7: {  	s11 =	sadd.s32 $0x15480, s10;
	[sflag:s1] =	ssyncadd.s32 $0xFFFFC000  }
0xa8: {  	[spmem:s3] =	stream.indirect.scatter.add.f32 [tilespmem:s31], [sflag:$0x5], $0x1, s11, s23, $0xb8;
	[tilespmem:$0x1EB00] =	vst v63  }
.Ltmp2:
0xa9: {  	(pc) =	sbr.rel @p0 .LBB2_6-.Ltmp2, $4  }
0xaa: {  	[spmem:s2] =	stream.indirect.scatter.add.f32 [tilespmem:s26], [sflag:$0x6], $0x80, s11, s23, $0xb8;
	[tilespmem:$0x1EB00] =	vst v63  }
0xab: {  	_ =	swait.ge [sflag:s21], $0x4000  }
0xac: {  	[sflag:s21] =	ssyncset.done $0x0  }
0xad: {  	s10 =	sadd.s32 $0x14180, s10;
	[sflag:s21] =	ssyncadd.s32 $0xFFFFC000  }
0xae: {  	[tilespmem:s26], [sflag:$0x2] =	stream.indirect.gather [hbm4b:s5+s23], $0x80, s10, s23, $0xb8;
	[tilespmem:$0x1EB00] =	vst v63  }
0xaf: {  	_ =	swait.ge [sflag:s30], $0x4000  }
0xb0: {  	[sflag:s30] =	ssyncset.done $0x0  }
0xb1: {  	[sflag:s30] =	ssyncadd.s32 $0xFFFFC000  }
0xb2: {  	[spmem:s3] =	stream.indirect.scatter.add.f32 [tilespmem:s31], [sflag:$0x5], $0x1, s0, s23, $0xb8;
	[tilespmem:$0x1EB00] =	vst v63  }
0xb3: {  	_ = 	snop  }
0xb4: {  	[spmem:s2] =	stream.indirect.scatter.add.f32 [tilespmem:s24], [sflag:$0x6], $0x80, s0, s23, $0xb8;
	[tilespmem:$0x1EB00] =	vst v63  }
0xb5: {  	_ =	swait.ge [sflag:s21], $0x4000  }
0xb6: {  	[sflag:s21] =	ssyncset.done $0x0  }
0xb7: {  	[sflag:s21] =	ssyncadd.s32 $0xFFFFC000  }
0xb8: {  	_ =	swait.ge [sflag:s1], $0x4000  }
0xb9: {  	[sflag:s1] =	ssyncset.done $0x0  }
0xba: {  	[sflag:s1] =	ssyncadd.s32 $0xFFFFC000  }
0xbb: {  	[spmem:s3] =	stream.indirect.scatter.add.f32 [tilespmem:s31], [sflag:$0x5], $0x1, s4, s23, $0xb8;
	[tilespmem:$0x1EB00] =	vst v63  }
0xbc: {  	_ = 	snop  }
0xbd: {  	[spmem:s2] =	stream.indirect.scatter.add.f32 [tilespmem:s26], [sflag:$0x6], $0x80, s4, s23, $0xb8;
	[tilespmem:$0x1EB00] =	vst v63  }
0xbe: {  	_ =	swait.ge [sflag:s21], $0x4000  }
0xbf: {  	[sflag:s21] =	ssyncset.done $0x0  }
0xc0: {  	[sflag:s21] =	ssyncadd.s32 $0xFFFFC000  }
0xc1: {  	_ =	swait.ge [sflag:s7], $0x80  }
0xc2: {  	s9 =	simm.s32 $0x27;
	[sflag:s7] =	ssyncset.done $0x0  }
.LBB2_8:
0xc3: {  	p0 =	sne.s32 s9, $0x1;
	s9 =	sadd.s32 $0xFFFFFFFF, s9;
	[sflag:s7] =	ssyncadd.s32 $0xFFFFFF80  }
.Ltmp3:
0xc4: {  	(pc) =	sbr.rel @p0 .LBB2_8-.Ltmp3, $3  }
0xc5: {  	_ =	sdelay $0x1  }
0xc6: {  	_ =	swait.ge [sflag:s7], $0x80  }
0xc7: {  	[sflag:s7] =	ssyncset.done $0x0  }
0xc8: {  	[sflag:s7] =	ssyncadd.s32 $0xFFFFFF80  }
0xc9: {  	s9 =	sor.u32 $0x1C06, s6;
	[bflag:$0x0] =	sbarrier.arrive $0xFFFF  }
0xca: {  	[hbm:s14], [sflag:s9] =	dma.local [spmem:s17], $0x2800  }
0xcb: {  	s8 =	sadd.s32 $0x1, s8;
	_ =	swait.ge [sflag:s21], $0x2800  }
0xcc: {  	s10 =	simm.s32 $0x20;
	p0 =	sne.s32 s8, s16;
	[sflag:s21] =	ssyncset.done $0x0  }
.Ltmp4:
0xcd: {  	s11 =	simm.s32 $0x10;
	[sflag:s21] =	ssyncadd.s32 $0xFFFFD800;
	(pc) =	sbr.rel @p0 .LBB2_1-.Ltmp4, $4  }
0xce: {  	[hbm:s15@s10], [sflag:s9] =	dma.strided [spmem:s19@s11], $0x50, s30, $0x10   }
0xcf: {  	_ =	swait.ge [sflag:s21], $0x50  }
0xd0: {  	[sflag:s21] =	ssyncset.done $0x0  }
0xd1: {  	[sflag:s21] =	ssyncadd.s32 $0xFFFFFFB0  }
0xd2: {  	_ =	sfence.sel $0x180000  }
0xd3: {  	[bflag:$0x0] =	sbarrier.arrive $0xFFFF  }
0xd4: {  	_ =	strace $0x90000047  }
0xd5: {  	s0 =	stileid.u32;
	[bflag:$0x2] =	sbarrier.arrive $0xFFFF  }
0xd6: {  	p0 =	sne.s32 s0, $0x0;
	s0 =	rddreg [dreg:$0x3]  }
0xd7: {  	s0 =	sadd.s32 @!p0 $0x100000, s0  }
0xd8: {  	[sflag:s0] =	ssyncadd.tile.s32 @!p0 $0x1;
	_ =	shalt  }
.Lfunc_end2:
_tile_overlayer_lowered:
.L_overlay_start_2:
0xd9: {  	(tag) =	ssettag $0x2  }
0xda: {  	s0 =	rddreg [dreg:$0x0];
	s2 =	stileid.u32  }
0xdb: {  	s1 =	rddreg [dreg:$0x1];
	p0 =	sne.s32 s2, $0x0  }
0xdc: {  	s3 =	rddreg [dreg:$0x2];
	[bflag:$0x3] =	sbarrier.arrive $0xFFFF;
	s2 =	simm.s32 @!p0 $0x1C06  }
0xdd: {  	[timem:s3], [sflag:s2] =	dma.local @!p0 [hbm:s0], s1  }
0xde: {  	s0 =	simm.s32 @!p0 $0x6  }
0xdf: {  	_ =	swait.ge @!p0 [sflag:s0], s1  }
0xe0: {  	s1 =	ssub.s32 @!p0 $0x0, s1;
	[sflag:s0] =	ssyncset.done @!p0 $0x0  }
0xe1: {  	[sflag:s0] =	ssyncadd.s32 @!p0 s1  }
0xe2: {  	[bflag:$0x3] =	sbarrier.arrive $0xFFFF  }
0xe3: {  	_ =	shalt  }

</sc_bundles>
